<compile_context>
chip_gen: v7x
topology: tpu7x:2x2x1
jax: 0.10.2.dev20260603
libtpu: 0.0.44.dev20260713+nightly
codegen_flags: <defaults>
</compile_context>

<pallas_src>
import functools

import jax
import jax.numpy as jnp
from jax import lax
from jax.experimental import pallas as pl
from jax.experimental.pallas import tpu as pltpu
from jax.experimental.pallas import tpu_sc as plsc

N_SRC = 1000000
N_TGT = 1000000
D = 32
K = 1000000
NC = 2
NS = 16
H = N_TGT // NC
DUMPN = 4096
B1 = 4000
BP = 4096
NB1 = K // B1
V1 = BP // 16
C2 = 400
CP = 448
NCH2 = H // C2
MAX_ROUNDS = 16


def _vsum(vec):
    t = vec[0]
    for l in range(1, 16):
        t = t + vec[l]
    return t


def _cp(src, dst, sem):
    cp = pltpu.make_async_copy(src, dst, sem)
    cp.start()
    cp.wait()


def _body(src2_hbm, e_hbm, d_hbm, outf_hbm,
          win_sp, flag_sp, dvm, ivm, kvm, gvm, wvm, widf, evm, qvm,
          sbuf, obuf, frd, cbuf, sem_g, sem_s, sem_a):
    c = lax.axis_index("c")
    s = lax.axis_index("s")
    base_t = c * H
    i16 = lax.broadcasted_iota(jnp.int32, (16,), 0)
    zero16 = jnp.zeros((16,), jnp.int32)
    zf16 = jnp.zeros((16,), jnp.float32)
    neg16 = jnp.full((16,), -1, jnp.int32)

    def fw(v, _):
        wvm[pl.ds(v * 16, 16)] = neg16
        return 0
    lax.fori_loop(0, C2 // 16, fw, 0)

    nj = (NCH2 - s + NS - 1) // NS
    def fi(i, _):
        j = s + NS * i
        _cp(wvm, win_sp.at[pl.ds(j * C2, C2)], sem_a)
        return 0
    lax.fori_loop(0, nj, fi, 0)
    _cp(wvm.at[pl.ds(0, DUMPN // NS)],
        win_sp.at[pl.ds(H + s * (DUMPN // NS), DUMPN // NS)], sem_a)
    plsc.subcore_barrier()

    nb = (NB1 - s + NS - 1) // NS

    def per_block(i, cnt16):
        j = s + NS * i
        kbase = j * B1
        _cp(d_hbm.at[pl.ds(j * B1, B1)], dvm.at[pl.ds(0, B1)], sem_a)

        def pa(v, _):
            dv = dvm[pl.ds(v * 16, 16)]
            p = i16 + v * 16
            t = dv - base_t
            kv = p + kbase
            m0 = (t >= 0) & (t < H) & (p < B1)
            idx1 = jnp.where(m0, t, H + (kv & (DUMPN - 1)))
            ivm[pl.ds(v * 16, 16)] = idx1
            return 0
        lax.fori_loop(0, V1, pa, 0)

        _cp(win_sp.at[ivm], gvm, sem_g)

        def pb(v, acc):
            idx1 = ivm[pl.ds(v * 16, 16)]
            gv = gvm[pl.ds(v * 16, 16)]
            kv = i16 + v * 16 + kbase
            act = (idx1 < H) & (gv < kv)
            idx2 = jnp.where(act, idx1, H + (kv & (DUMPN - 1)))
            ivm[pl.ds(v * 16, 16)] = idx2
            kvm[pl.ds(v * 16, 16)] = kv
            return acc + jnp.where(act, 1, 0)
        cnt16 = lax.fori_loop(0, V1, pb, cnt16)

        _cp(kvm, win_sp.at[ivm], sem_s)
        return cnt16

    def flag_dance(_, cnt0):
        cbuf[pl.ds(0, 16)] = jnp.where(i16 == 0, cnt0, 0)
        _cp(cbuf.at[pl.ds(0, 8)], flag_sp.at[pl.ds(s * 8, 8)], sem_a)
        plsc.subcore_barrier()
        _cp(flag_sp, frd, sem_a)
        changed = jnp.int32(0)
        for q in range(NS // 2):
            v = frd[pl.ds(q * 16, 16)]
            changed = changed + v[0] + v[8]
        plsc.subcore_barrier()
        return changed

    def wbody(r, go):
        nb_eff = jnp.where(go > 0, nb, 0)
        cnt16 = lax.fori_loop(0, nb_eff, per_block, zero16)
        gate = jnp.where(go > 0, 1, 0)
        return lax.fori_loop(0, gate, flag_dance, _vsum(cnt16))

    lax.fori_loop(0, MAX_ROUNDS, wbody, jnp.int32(1))

    def chunk(i, _):
        j = s + NS * i
        lb = j * C2
        gbw = (base_t + lb) * D
        _cp(win_sp.at[pl.ds(lb, C2)], wvm, sem_a)

        def pc(v, _):
            w = wvm[pl.ds(v * 16, 16)]
            spread = (lb + i16 + v * 16) & (2 ** 19 - 1)
            widf[pl.ds(v * 16, 16)] = jnp.where(w < 0, spread, w)
            return 0
        lax.fori_loop(0, C2 // 16, pc, 0)
        def pw(v, _):
            widf[pl.ds(v * 16, 16)] = (lb + i16 + v * 16) & (2 ** 19 - 1)
            return 0
        lax.fori_loop(C2 // 16, CP // 16, pw, 0)

        _cp(e_hbm.at[widf], evm, sem_g)

        def ps(v, _):
            ev = evm[pl.ds(v * 16, 16)]
            widf[pl.ds(v * 16, 16)] = lax.shift_right_logical(ev, 2)
            qvm[pl.ds(v * 16, 16)] = ev & 3
            return 0
        lax.fori_loop(0, CP // 16, ps, 0)

        _cp(src2_hbm.at[widf], sbuf, sem_g)

        def ex(g, _):
            rowv = i16 + g * 16
            t32 = rowv * D
            q32 = qvm[pl.ds(g * 16, 16)] * D
            for cc in range(D):
                vals = plsc.load_gather(sbuf, [rowv, q32 + cc])
                plsc.store_scatter(obuf, [t32 + cc], vals)
            return 0
        lax.fori_loop(0, C2 // 16, ex, 0)

        def zm(v, _):
            w = wvm[pl.ds(v * 16, 16)]
            t32 = jnp.where(w < 0, (i16 + v * 16) * D, (CP - 1) * D)
            for cc in range(D):
                plsc.store_scatter(obuf, [t32 + cc], zf16)
            return 0
        lax.fori_loop(0, C2 // 16, zm, 0)

        _cp(obuf.at[pl.ds(0, C2 * D)], outf_hbm.at[pl.ds(gbw, C2 * D)],
            sem_a)
        return 0
    lax.fori_loop(0, nj, chunk, 0)


@jax.jit
def _run(src2, e_idx, d_idx):
    fn = pl.kernel(
        _body,
        mesh=plsc.VectorSubcoreMesh(core_axis_name="c", subcore_axis_name="s"),
        out_type=jax.ShapeDtypeStruct((N_TGT * D,), jnp.float32),
        scratch_types=[
            pltpu.VMEM_SHARED((H + DUMPN,), jnp.int32),
            pltpu.VMEM_SHARED((NS * 8,), jnp.int32),
            pltpu.VMEM((BP,), jnp.int32),
            pltpu.VMEM((BP,), jnp.int32),
            pltpu.VMEM((BP,), jnp.int32),
            pltpu.VMEM((BP,), jnp.int32),
            pltpu.VMEM((C2,), jnp.int32),
            pltpu.VMEM((CP,), jnp.int32),
            pltpu.VMEM((CP,), jnp.int32),
            pltpu.VMEM((CP,), jnp.int32),
            pltpu.VMEM((CP, 4 * D), jnp.float32),
            pltpu.VMEM((CP * D,), jnp.float32),
            pltpu.VMEM((NS * 8,), jnp.int32),
            pltpu.VMEM((16,), jnp.int32),
            pltpu.SemaphoreType.DMA,
            pltpu.SemaphoreType.DMA,
            pltpu.SemaphoreType.DMA,
        ],
        compiler_params=pltpu.CompilerParams(use_tc_tiling_on_sc=True,
                                             needs_layout_passes=False),
    )
    return fn(src2, e_idx, d_idx)


def kernel(src_feat, e_idx, d_idx, tgt_size, feat_depth):
    src2 = src_feat.reshape(N_SRC // 4, 4 * D)
    outf = _run(src2, e_idx.astype(jnp.int32), d_idx.astype(jnp.int32))
    return outf.reshape(N_TGT, D), feat_depth

# --- scband reference (transcript-rebuilt; emitter-appended) ---
"""Pipeline reference for scband-coordinate-transform-31739808317551 (READ-ONLY COPY).

The authoritative reference and input builder live on the scoring server;
editing this copy changes nothing except your own understanding.
"""

import jax, jax.numpy as jnp
import numpy as np

N_SRC = 1000000
N_TGT = 1000000
K = 1000000
D = 32

def setup_inputs(seed: int = 0) -> dict:
    key = jax.random.key(seed)
    k1, k2, k3 = jax.random.split(key, 3)
    src_feat = jax.random.normal(k1, (N_SRC, D), dtype=jnp.float32)
    e_idx = jax.random.randint(k2, (K,), 0, N_SRC, dtype=jnp.int64) if jax.config.jax_enable_x64 else jax.random.randint(k2, (K,), 0, N_SRC, dtype=jnp.int32)
    d_idx = jax.random.randint(k3, (K,), 0, N_TGT, dtype=jnp.int64) if jax.config.jax_enable_x64 else jax.random.randint(k3, (K,), 0, N_TGT, dtype=jnp.int32)
    return {"src_feat": src_feat, "e_idx": e_idx, "d_idx": d_idx, "tgt_size": N_TGT, "feat_depth": 3}

def reference(src_feat, e_idx, d_idx, tgt_size, feat_depth):
    # CoordinateTransform.forward (non-reflected path):
    #   enc_aligned = zeros(tgt_size, d); enc_aligned[d_idx] = src_feat[e_idx]
    enc_aligned = jnp.zeros((N_TGT, src_feat.shape[1]), dtype=src_feat.dtype)
    enc_aligned = enc_aligned + (jnp.asarray(tgt_size) - N_TGT).astype(src_feat.dtype)
    gathered = jnp.take(src_feat, e_idx, axis=0)
    enc_aligned = enc_aligned.at[d_idx].set(gathered)
    return (enc_aligned, feat_depth)

if __name__ == "__main__":
    import jax
    _d = setup_inputs()
    print(jax.jit(kernel)(*tuple(_d.values())))

</pallas_src>

<mosaic_0001>
#map = affine_map<(d0, d1) -> (0, 0)>
#map1 = affine_map<(d0, d1) -> (0)>
module attributes {stable_mosaic.version = 14 : i64} {
  func.func @_body(%arg0: i32, %arg1: i32, %arg2: memref<250000x128xf32, #tpu.memory_space<hbm>>, %arg3: memref<1000000xi32, #tpu.memory_space<hbm>>, %arg4: memref<1000000xi32, #tpu.memory_space<hbm>>, %arg5: memref<32000000xf32, #tpu.memory_space<hbm>>, %arg6: memref<504096xi32, #tpu.memory_space<vmem_shared>>, %arg7: memref<128xi32, #tpu.memory_space<vmem_shared>>, %arg8: memref<4096xi32, #tpu.memory_space<vmem>>, %arg9: memref<4096xi32, #tpu.memory_space<vmem>>, %arg10: memref<4096xi32, #tpu.memory_space<vmem>>, %arg11: memref<4096xi32, #tpu.memory_space<vmem>>, %arg12: memref<400xi32, #tpu.memory_space<vmem>>, %arg13: memref<448xi32, #tpu.memory_space<vmem>>, %arg14: memref<448xi32, #tpu.memory_space<vmem>>, %arg15: memref<448xi32, #tpu.memory_space<vmem>>, %arg16: memref<448x128xf32, #tpu.memory_space<vmem>>, %arg17: memref<14336xf32, #tpu.memory_space<vmem>>, %arg18: memref<128xi32, #tpu.memory_space<vmem>>, %arg19: memref<16xi32, #tpu.memory_space<vmem>>, %arg20: memref<!tpu.dma_semaphore, #tpu.memory_space<semaphore_mem>>, %arg21: memref<!tpu.dma_semaphore, #tpu.memory_space<semaphore_mem>>, %arg22: memref<!tpu.dma_semaphore, #tpu.memory_space<semaphore_mem>>) attributes {dimension_semantics = [#tpu.dimension_semantics<core_parallel>, #tpu.dimension_semantics<subcore_parallel>], iteration_bounds = array<i64: 2, 16>, scalar_prefetch = 0 : i64, scratch_operands = 17 : i64, tpu.core_type = #tpu.core_type<sc_vector_subcore>, window_params = [{transform_indices = #map}, {transform_indices = #map1}, {transform_indices = #map1}, {transform_indices = #map1}]} {
    %mul3A = arith.constant 500000 : i32
    %mul3A_0 = arith.muli %arg0, %mul3A : i32
    %iota3A = tpu.iota {dimensions = array<i32: 0>} : vector<16xi32>
    %broadcast_in_dim3A = arith.constant 0 : i32
    %broadcast_in_dim3A_1 = vector.broadcast %broadcast_in_dim3A : i32 to vector<16xi32>
    %broadcast_in_dim3A_2 = arith.constant 0.000000e+00 : f32
    %broadcast_in_dim3A_3 = vector.broadcast %broadcast_in_dim3A_2 : f32 to vector<16xf32>
    %broadcast_in_dim3A_4 = arith.constant -1 : i32
    %broadcast_in_dim3A_5 = vector.broadcast %broadcast_in_dim3A_4 : i32 to vector<16xi32>
    %scan3A = arith.constant 0 : i32
    %scan3A_6 = arith.constant 0 : i32
    %scan3A_7 = arith.constant 25 : i32
    %scan3A_8 = arith.addi %scan3A_6, %scan3A_7 : i32
    %scan3A_9 = arith.constant 1 : i32
    %scan3A_10 = scf.for %scan3A_107 = %scan3A_6 to %scan3A_8 step %scan3A_9 iter_args(%scan3A_108 = %scan3A) -> (i32)  : i32 {
      %mul3A_109 = arith.constant 16 : i32
      %mul3A_110 = arith.muli %scan3A_107, %mul3A_109 : i32
      %swap3A = arith.index_cast %mul3A_110 : i32 to index
      %swap3A_111 = tpu.vector_load %arg12[%swap3A] {strides = array<i32>} : memref<400xi32, #tpu.memory_space<vmem>>, vector<16xi32>,
      tpu.vector_store %arg12[%swap3A], %broadcast_in_dim3A_5 {strides = array<i32>} : memref<400xi32, #tpu.memory_space<vmem>>, vector<16xi32>,
      %scan3A_112 = arith.constant 0 : i32
      scf.yield %scan3A_112 : i32
    }
    %scan3A_11 = arith.constant 25 : i32
    %sub3A = arith.constant 1250 : i32
    %sub3A_12 = arith.subi %sub3A, %arg1 : i32
    %add3A = arith.constant 16 : i32
    %add3A_13 = arith.addi %sub3A_12, %add3A : i32
    %sub3A_14 = arith.constant 1 : i32
    %sub3A_15 = arith.subi %add3A_13, %sub3A_14 : i32
    %jit3A = arith.constant 16 : i32
    %div3A = arith.divsi %sub3A_15, %jit3A : i32
    %sign3A = arith.constant 0 : i32
    %sign3A_16 = arith.cmpi sgt, %sub3A_15, %sign3A : i32
    %sign3A_17 = arith.extui %sign3A_16 : i1 to i32
    %sign3A_18 = arith.constant 0 : i32
    %sign3A_19 = arith.cmpi slt, %sub3A_15, %sign3A_18 : i32
    %sign3A_20 = arith.extui %sign3A_19 : i1 to i32
    %sign3A_21 = arith.subi %sign3A_17, %sign3A_20 : i32
    %sign3A_22 = arith.constant 0 : i32
    %sign3A_23 = arith.cmpi sgt, %jit3A, %sign3A_22 : i32
    %sign3A_24 = arith.extui %sign3A_23 : i1 to i32
    %sign3A_25 = arith.constant 0 : i32
    %sign3A_26 = arith.cmpi slt, %jit3A, %sign3A_25 : i32
    %sign3A_27 = arith.extui %sign3A_26 : i1 to i32
    %sign3A_28 = arith.subi %sign3A_24, %sign3A_27 : i32
    %ne3A = arith.cmpi ne, %sign3A_21, %sign3A_28 : i32
    %rem3A = arith.remsi %sub3A_15, %jit3A : i32
    %ne3A_29 = arith.constant 0 : i32
    %ne3A_30 = arith.cmpi ne, %rem3A, %ne3A_29 : i32
    %and3A = arith.andi %ne3A, %ne3A_30 : i1
    %sub3A_31 = arith.constant 1 : i32
    %sub3A_32 = arith.subi %div3A, %sub3A_31 : i32
    %select_n3A = arith.select %and3A, %sub3A_32, %div3A : i32
    %while3A = arith.constant 0 : i32
    %while3A_33 = arith.constant 0 : i32
    %while3A_34 = arith.subi %select_n3A, %while3A : i32
    %while3A_35 = arith.addi %while3A, %while3A_34 : i32
    %while3A_36 = arith.constant 1 : i32
    %while3A_37 = arith.divsi %while3A_34, %while3A_36 : i32
    %while3A_38 = arith.muli %while3A_37, %while3A_36 : i32
    %while3A_39 = arith.addi %while3A, %while3A_38 : i32
    %while3A_40 = arith.constant 1 : i32
    %while3A_41 = scf.for %while3A_107 = %while3A to %while3A_39 step %while3A_40 iter_args(%while3A_108 = %while3A_33) -> (i32)  : i32 {
      %mul3A_109 = arith.constant 16 : i32
      %mul3A_110 = arith.muli %mul3A_109, %while3A_107 : i32
      %add3A_111 = arith.addi %arg1, %mul3A_110 : i32
      %mul3A_112 = arith.constant 400 : i32
      %mul3A_113 = arith.muli %add3A_111, %mul3A_112 : i32
      %dma_start3A_114 = tpu.memref_slice %arg6[%mul3A_113] : memref<504096xi32, #tpu.memory_space<vmem_shared>> -> memref<400xi32, #tpu.memory_space<vmem_shared>>
      %dma_start3A_115 = tpu.memref_slice %arg6[%mul3A_113] : memref<504096xi32, #tpu.memory_space<vmem_shared>> -> memref<400xi32, #tpu.memory_space<vmem_shared>>
      tpu.enqueue_dma source(%arg12 : memref<400xi32, #tpu.memory_space<vmem>>) target(%dma_start3A_115 : memref<400xi32, #tpu.memory_space<vmem_shared>>) target_semaphore(%arg22 : memref<!tpu.dma_semaphore, #tpu.memory_space<semaphore_mem>>)
      %dma_wait3A_116 = tpu.memref_slice %arg6[%mul3A_113] : memref<504096xi32, #tpu.memory_space<vmem_shared>> -> memref<400xi32, #tpu.memory_space<vmem_shared>>
      %dma_wait3A_117 = tpu.memref_slice %arg6[%mul3A_113] : memref<504096xi32, #tpu.memory_space<vmem_shared>> -> memref<400xi32, #tpu.memory_space<vmem_shared>>
      tpu.wait_dma2 semaphore(%arg22 : memref<!tpu.dma_semaphore, #tpu.memory_space<semaphore_mem>>) src(%arg12 : memref<400xi32, #tpu.memory_space<vmem>>) dst(%dma_wait3A_117 : memref<400xi32, #tpu.memory_space<vmem_shared>>)
      %while3A_118 = arith.constant 0 : i32
      scf.yield %while3A_118 : i32
    }
    %while3A_42 = arith.constant 1 : i32
    %while3A_43 = scf.for %while3A_107 = %while3A_39 to %while3A_35 step %while3A_42 iter_args(%while3A_108 = %while3A_41) -> (i32)  : i32 {
      %mul3A_109 = arith.constant 16 : i32
      %mul3A_110 = arith.muli %mul3A_109, %while3A_107 : i32
      %add3A_111 = arith.addi %arg1, %mul3A_110 : i32
      %mul3A_112 = arith.constant 400 : i32
      %mul3A_113 = arith.muli %add3A_111, %mul3A_112 : i32
      %dma_start3A_114 = tpu.memref_slice %arg6[%mul3A_113] : memref<504096xi32, #tpu.memory_space<vmem_shared>> -> memref<400xi32, #tpu.memory_space<vmem_shared>>
      %dma_start3A_115 = tpu.memref_slice %arg6[%mul3A_113] : memref<504096xi32, #tpu.memory_space<vmem_shared>> -> memref<400xi32, #tpu.memory_space<vmem_shared>>
      tpu.enqueue_dma source(%arg12 : memref<400xi32, #tpu.memory_space<vmem>>) target(%dma_start3A_115 : memref<400xi32, #tpu.memory_space<vmem_shared>>) target_semaphore(%arg22 : memref<!tpu.dma_semaphore, #tpu.memory_space<semaphore_mem>>)
      %dma_wait3A_116 = tpu.memref_slice %arg6[%mul3A_113] : memref<504096xi32, #tpu.memory_space<vmem_shared>> -> memref<400xi32, #tpu.memory_space<vmem_shared>>
      %dma_wait3A_117 = tpu.memref_slice %arg6[%mul3A_113] : memref<504096xi32, #tpu.memory_space<vmem_shared>> -> memref<400xi32, #tpu.memory_space<vmem_shared>>
      tpu.wait_dma2 semaphore(%arg22 : memref<!tpu.dma_semaphore, #tpu.memory_space<semaphore_mem>>) src(%arg12 : memref<400xi32, #tpu.memory_space<vmem>>) dst(%dma_wait3A_117 : memref<400xi32, #tpu.memory_space<vmem_shared>>)
      %while3A_118 = arith.constant 0 : i32
      scf.yield %while3A_118 : i32
    }
    %mul3A_44 = arith.constant 256 : i32
    %mul3A_45 = arith.muli %arg1, %mul3A_44 : i32
    %add3A_46 = arith.constant 500000 : i32
    %add3A_47 = arith.addi %add3A_46, %mul3A_45 : i32
    %dma_start3A = arith.constant 0 : i32
    %dma_start3A_48 = tpu.memref_slice %arg12[%dma_start3A] : memref<400xi32, #tpu.memory_space<vmem>> -> memref<256xi32, #tpu.memory_space<vmem>>
    %dma_start3A_49 = tpu.memref_slice %arg6[%add3A_47] : memref<504096xi32, #tpu.memory_space<vmem_shared>> -> memref<256xi32, #tpu.memory_space<vmem_shared>>
    %dma_start3A_50 = tpu.memref_slice %arg6[%add3A_47] : memref<504096xi32, #tpu.memory_space<vmem_shared>> -> memref<256xi32, #tpu.memory_space<vmem_shared>>
    %dma_start3A_51 = arith.constant 0 : i32
    %dma_start3A_52 = tpu.memref_slice %arg12[%dma_start3A_51] : memref<400xi32, #tpu.memory_space<vmem>> -> memref<256xi32, #tpu.memory_space<vmem>>
    tpu.enqueue_dma source(%dma_start3A_52 : memref<256xi32, #tpu.memory_space<vmem>>) target(%dma_start3A_50 : memref<256xi32, #tpu.memory_space<vmem_shared>>) target_semaphore(%arg22 : memref<!tpu.dma_semaphore, #tpu.memory_space<semaphore_mem>>)
    %dma_wait3A = arith.constant 0 : i32
    %dma_wait3A_53 = tpu.memref_slice %arg12[%dma_wait3A] : memref<400xi32, #tpu.memory_space<vmem>> -> memref<256xi32, #tpu.memory_space<vmem>>
    %dma_wait3A_54 = tpu.memref_slice %arg6[%add3A_47] : memref<504096xi32, #tpu.memory_space<vmem_shared>> -> memref<256xi32, #tpu.memory_space<vmem_shared>>
    %dma_wait3A_55 = tpu.memref_slice %arg6[%add3A_47] : memref<504096xi32, #tpu.memory_space<vmem_shared>> -> memref<256xi32, #tpu.memory_space<vmem_shared>>
    %dma_wait3A_56 = arith.constant 0 : i32
    %dma_wait3A_57 = tpu.memref_slice %arg12[%dma_wait3A_56] : memref<400xi32, #tpu.memory_space<vmem>> -> memref<256xi32, #tpu.memory_space<vmem>>
    tpu.wait_dma2 semaphore(%arg22 : memref<!tpu.dma_semaphore, #tpu.memory_space<semaphore_mem>>) src(%dma_wait3A_57 : memref<256xi32, #tpu.memory_space<vmem>>) dst(%dma_wait3A_55 : memref<256xi32, #tpu.memory_space<vmem_shared>>)
    %barrier3A = arith.constant 0 : index
    tpu.barrier barrier_id(%barrier3A)
    %sub3A_58 = arith.constant 250 : i32
    %sub3A_59 = arith.subi %sub3A_58, %arg1 : i32
    %add3A_60 = arith.constant 16 : i32
    %add3A_61 = arith.addi %sub3A_59, %add3A_60 : i32
    %sub3A_62 = arith.constant 1 : i32
    %sub3A_63 = arith.subi %add3A_61, %sub3A_62 : i32
    %jit3A_64 = arith.constant 16 : i32
    %div3A_65 = arith.divsi %sub3A_63, %jit3A_64 : i32
    %sign3A_66 = arith.constant 0 : i32
    %sign3A_67 = arith.cmpi sgt, %sub3A_63, %sign3A_66 : i32
    %sign3A_68 = arith.extui %sign3A_67 : i1 to i32
    %sign3A_69 = arith.constant 0 : i32
    %sign3A_70 = arith.cmpi slt, %sub3A_63, %sign3A_69 : i32
    %sign3A_71 = arith.extui %sign3A_70 : i1 to i32
    %sign3A_72 = arith.subi %sign3A_68, %sign3A_71 : i32
    %sign3A_73 = arith.constant 0 : i32
    %sign3A_74 = arith.cmpi sgt, %jit3A_64, %sign3A_73 : i32
    %sign3A_75 = arith.extui %sign3A_74 : i1 to i32
    %sign3A_76 = arith.constant 0 : i32
    %sign3A_77 = arith.cmpi slt, %jit3A_64, %sign3A_76 : i32
    %sign3A_78 = arith.extui %sign3A_77 : i1 to i32
    %sign3A_79 = arith.subi %sign3A_75, %sign3A_78 : i32
    %ne3A_80 = arith.cmpi ne, %sign3A_72, %sign3A_79 : i32
    %rem3A_81 = arith.remsi %sub3A_63, %jit3A_64 : i32
    %ne3A_82 = arith.constant 0 : i32
    %ne3A_83 = arith.cmpi ne, %rem3A_81, %ne3A_82 : i32
    %and3A_84 = arith.andi %ne3A_80, %ne3A_83 : i1
    %sub3A_85 = arith.constant 1 : i32
    %sub3A_86 = arith.subi %div3A_65, %sub3A_85 : i32
    %select_n3A_87 = arith.select %and3A_84, %sub3A_86, %div3A_65 : i32
    %scan3A_88 = arith.constant 1 : i32
    %scan3A_89 = arith.constant 0 : i32
    %scan3A_90 = arith.constant 16 : i32
    %scan3A_91 = arith.addi %scan3A_89, %scan3A_90 : i32
    %scan3A_92 = arith.constant 1 : i32
    %scan3A_93 = scf.for %scan3A_107 = %scan3A_89 to %scan3A_91 step %scan3A_92 iter_args(%scan3A_108 = %scan3A_88) -> (i32)  : i32 {
      %gt3A = arith.constant 0 : i32
      %gt3A_109 = arith.cmpi sgt, %scan3A_108, %gt3A : i32
      %jit3A_110 = arith.constant 0 : i32
      %select_n3A_111 = arith.select %gt3A_109, %select_n3A_87, %jit3A_110 : i32
      %while3A_112 = arith.constant 0 : i32
      %while3A_113 = arith.subi %select_n3A_111, %while3A_112 : i32
      %while3A_114 = arith.addi %while3A_112, %while3A_113 : i32
      %while3A_115 = arith.constant 1 : i32
      %while3A_116 = arith.divsi %while3A_113, %while3A_115 : i32
      %while3A_117 = arith.muli %while3A_116, %while3A_115 : i32
      %while3A_118 = arith.addi %while3A_112, %while3A_117 : i32
      %while3A_119 = arith.constant 1 : i32
      %while3A_120 = scf.for %while3A_184 = %while3A_112 to %while3A_118 step %while3A_119 iter_args(%while3A_185 = %broadcast_in_dim3A_1) -> (vector<16xi32>)  : i32 {
        %mul3A_186 = arith.constant 16 : i32
        %mul3A_187 = arith.muli %mul3A_186, %while3A_184 : i32
        %add3A_188 = arith.addi %arg1, %mul3A_187 : i32
        %mul3A_189 = arith.constant 4000 : i32
        %mul3A_190 = arith.muli %add3A_188, %mul3A_189 : i32
        %mul3A_191 = arith.constant 4000 : i32
        %mul3A_192 = arith.muli %add3A_188, %mul3A_191 : i32
        %dma_start3A_193 = arith.constant 0 : i32
        %dma_start3A_194 = tpu.memref_slice %arg8[%dma_start3A_193] : memref<4096xi32, #tpu.memory_space<vmem>> -> memref<4000xi32, #tpu.memory_space<vmem>>
        %dma_start3A_195 = tpu.memref_slice %arg4[%mul3A_192] : memref<1000000xi32, #tpu.memory_space<hbm>> -> memref<4000xi32, #tpu.memory_space<hbm>>
        %dma_start3A_196 = arith.constant 0 : i32
        %dma_start3A_197 = tpu.memref_slice %arg8[%dma_start3A_196] : memref<4096xi32, #tpu.memory_space<vmem>> -> memref<4000xi32, #tpu.memory_space<vmem>>
        %dma_start3A_198 = tpu.memref_slice %arg4[%mul3A_192] : memref<1000000xi32, #tpu.memory_space<hbm>> -> memref<4000xi32, #tpu.memory_space<hbm>>
        tpu.enqueue_dma source(%dma_start3A_198 : memref<4000xi32, #tpu.memory_space<hbm>>) target(%dma_start3A_197 : memref<4000xi32, #tpu.memory_space<vmem>>) target_semaphore(%arg22 : memref<!tpu.dma_semaphore, #tpu.memory_space<semaphore_mem>>)
        %dma_wait3A_199 = arith.constant 0 : i32
        %dma_wait3A_200 = tpu.memref_slice %arg8[%dma_wait3A_199] : memref<4096xi32, #tpu.memory_space<vmem>> -> memref<4000xi32, #tpu.memory_space<vmem>>
        %dma_wait3A_201 = tpu.memref_slice %arg4[%mul3A_192] : memref<1000000xi32, #tpu.memory_space<hbm>> -> memref<4000xi32, #tpu.memory_space<hbm>>
        %dma_wait3A_202 = arith.constant 0 : i32
        %dma_wait3A_203 = tpu.memref_slice %arg8[%dma_wait3A_202] : memref<4096xi32, #tpu.memory_space<vmem>> -> memref<4000xi32, #tpu.memory_space<vmem>>
        %dma_wait3A_204 = tpu.memref_slice %arg4[%mul3A_192] : memref<1000000xi32, #tpu.memory_space<hbm>> -> memref<4000xi32, #tpu.memory_space<hbm>>
        tpu.wait_dma2 semaphore(%arg22 : memref<!tpu.dma_semaphore, #tpu.memory_space<semaphore_mem>>) src(%dma_wait3A_204 : memref<4000xi32, #tpu.memory_space<hbm>>) dst(%dma_wait3A_203 : memref<4000xi32, #tpu.memory_space<vmem>>)
        %scan3A_205 = arith.constant 0 : i32
        %scan3A_206 = arith.constant 0 : i32
        %scan3A_207 = arith.constant 256 : i32
        %scan3A_208 = arith.addi %scan3A_206, %scan3A_207 : i32
        %scan3A_209 = arith.constant 1 : i32
        %scan3A_210 = scf.for %scan3A_226 = %scan3A_206 to %scan3A_208 step %scan3A_209 iter_args(%scan3A_227 = %scan3A_205) -> (i32)  : i32 {
          %mul3A_228 = arith.constant 16 : i32
          %mul3A_229 = arith.muli %scan3A_226, %mul3A_228 : i32
          %get3A = arith.index_cast %mul3A_229 : i32 to index
          %get3A_230 = tpu.vector_load %arg8[%get3A] {strides = array<i32>} : memref<4096xi32, #tpu.memory_space<vmem>>, vector<16xi32>,
          %mul3A_231 = arith.constant 16 : i32
          %mul3A_232 = arith.muli %scan3A_226, %mul3A_231 : i32
          %add3A_233 = vector.broadcast %mul3A_232 : i32 to vector<16xi32>
          %add3A_234 = arith.addi %iota3A, %add3A_233 : vector<16xi32>
          %sub3A_235 = vector.broadcast %mul3A_0 : i32 to vector<16xi32>
          %sub3A_236 = arith.subi %get3A_230, %sub3A_235 : vector<16xi32>
          %add3A_237 = vector.broadcast %mul3A_190 : i32 to vector<16xi32>
          %add3A_238 = arith.addi %add3A_234, %add3A_237 : vector<16xi32>
          %ge3A = arith.constant 0 : i32
          %ge3A_239 = vector.broadcast %ge3A : i32 to vector<16xi32>
          %ge3A_240 = arith.cmpi sge, %sub3A_236, %ge3A_239 : vector<16xi32>
          %lt3A = arith.constant 500000 : i32
          %lt3A_241 = vector.broadcast %lt3A : i32 to vector<16xi32>
          %lt3A_242 = arith.cmpi slt, %sub3A_236, %lt3A_241 : vector<16xi32>
          %and3A_243 = arith.andi %ge3A_240, %lt3A_242 : vector<16xi1>
          %lt3A_244 = arith.constant 4000 : i32
          %lt3A_245 = vector.broadcast %lt3A_244 : i32 to vector<16xi32>
          %lt3A_246 = arith.cmpi slt, %add3A_234, %lt3A_245 : vector<16xi32>
          %and3A_247 = arith.andi %and3A_243, %lt3A_246 : vector<16xi1>
          %and3A_248 = arith.constant 4095 : i32
          %and3A_249 = vector.broadcast %and3A_248 : i32 to vector<16xi32>
          %and3A_250 = arith.andi %add3A_238, %and3A_249 : vector<16xi32>
          %add3A_251 = arith.constant 500000 : i32
          %add3A_252 = vector.broadcast %add3A_251 : i32 to vector<16xi32>
          %add3A_253 = arith.addi %add3A_252, %and3A_250 : vector<16xi32>
          %select_n3A_254 = arith.select %and3A_247, %sub3A_236, %add3A_253 : vector<16xi1>, vector<16xi32>
          %mul3A_255 = arith.constant 16 : i32
          %mul3A_256 = arith.muli %scan3A_226, %mul3A_255 : i32
          %swap3A = arith.index_cast %mul3A_256 : i32 to index
          %swap3A_257 = tpu.vector_load %arg9[%swap3A] {strides = array<i32>} : memref<4096xi32, #tpu.memory_space<vmem>>, vector<16xi32>,
          tpu.vector_store %arg9[%swap3A], %select_n3A_254 {strides = array<i32>} : memref<4096xi32, #tpu.memory_space<vmem>>, vector<16xi32>,
          %scan3A_258 = arith.constant 0 : i32
          scf.yield %scan3A_258 : i32
        }
        %scan3A_211 = arith.constant 256 : i32
        %dma_start3A_212 = arith.constant 0 : i32
        %dma_start3A_213 = tpu.memref_slice %arg6[%dma_start3A_212] : memref<504096xi32, #tpu.memory_space<vmem_shared>> -> memref<504096xi32, #tpu.memory_space<vmem_shared>>
        tpu.enqueue_indirect_dma source(%dma_start3A_213 : memref<504096xi32, #tpu.memory_space<vmem_shared>>) target(%arg11 : memref<4096xi32, #tpu.memory_space<vmem>>) offsets(%arg9 : memref<4096xi32, #tpu.memory_space<vmem>>) semaphore(%arg20 : memref<!tpu.dma_semaphore, #tpu.memory_space<semaphore_mem>>)
        %dma_wait3A_214 = arith.constant 0 : i32
        %dma_wait3A_215 = tpu.memref_slice %arg6[%dma_wait3A_214] : memref<504096xi32, #tpu.memory_space<vmem_shared>> -> memref<504096xi32, #tpu.memory_space<vmem_shared>>
        tpu.wait_indirect_dma semaphore(%arg20 : memref<!tpu.dma_semaphore, #tpu.memory_space<semaphore_mem>>) src(%dma_wait3A_215 : memref<504096xi32, #tpu.memory_space<vmem_shared>>) dst(%arg11 : memref<4096xi32, #tpu.memory_space<vmem>>)
        %scan3A_216 = arith.constant 0 : i32
        %scan3A_217 = arith.constant 256 : i32
        %scan3A_218 = arith.addi %scan3A_216, %scan3A_217 : i32
        %scan3A_219 = arith.constant 1 : i32
        %scan3A_220 = scf.for %scan3A_226 = %scan3A_216 to %scan3A_218 step %scan3A_219 iter_args(%scan3A_227 = %while3A_185) -> (vector<16xi32>)  : i32 {
          %mul3A_228 = arith.constant 16 : i32
          %mul3A_229 = arith.muli %scan3A_226, %mul3A_228 : i32
          %get3A = arith.index_cast %mul3A_229 : i32 to index
          %get3A_230 = tpu.vector_load %arg9[%get3A] {strides = array<i32>} : memref<4096xi32, #tpu.memory_space<vmem>>, vector<16xi32>,
          %mul3A_231 = arith.constant 16 : i32
          %mul3A_232 = arith.muli %scan3A_226, %mul3A_231 : i32
          %get3A_233 = arith.index_cast %mul3A_232 : i32 to index
          %get3A_234 = tpu.vector_load %arg11[%get3A_233] {strides = array<i32>} : memref<4096xi32, #tpu.memory_space<vmem>>, vector<16xi32>,
          %mul3A_235 = arith.constant 16 : i32
          %mul3A_236 = arith.muli %scan3A_226, %mul3A_235 : i32
          %add3A_237 = vector.broadcast %mul3A_236 : i32 to vector<16xi32>
          %add3A_238 = arith.addi %iota3A, %add3A_237 : vector<16xi32>
          %add3A_239 = vector.broadcast %mul3A_190 : i32 to vector<16xi32>
          %add3A_240 = arith.addi %add3A_238, %add3A_239 : vector<16xi32>
          %lt3A = arith.constant 500000 : i32
          %lt3A_241 = vector.broadcast %lt3A : i32 to vector<16xi32>
          %lt3A_242 = arith.cmpi slt, %get3A_230, %lt3A_241 : vector<16xi32>
          %lt3A_243 = arith.cmpi slt, %get3A_234, %add3A_240 : vector<16xi32>
          %and3A_244 = arith.andi %lt3A_242, %lt3A_243 : vector<16xi1>
          %and3A_245 = arith.constant 4095 : i32
          %and3A_246 = vector.broadcast %and3A_245 : i32 to vector<16xi32>
          %and3A_247 = arith.andi %add3A_240, %and3A_246 : vector<16xi32>
          %add3A_248 = arith.constant 500000 : i32
          %add3A_249 = vector.broadcast %add3A_248 : i32 to vector<16xi32>
          %add3A_250 = arith.addi %add3A_249, %and3A_247 : vector<16xi32>
          %select_n3A_251 = arith.select %and3A_244, %get3A_230, %add3A_250 : vector<16xi1>, vector<16xi32>
          %mul3A_252 = arith.constant 16 : i32
          %mul3A_253 = arith.muli %scan3A_226, %mul3A_252 : i32
          %swap3A = arith.index_cast %mul3A_253 : i32 to index
          %swap3A_254 = tpu.vector_load %arg9[%swap3A] {strides = array<i32>} : memref<4096xi32, #tpu.memory_space<vmem>>, vector<16xi32>,
          tpu.vector_store %arg9[%swap3A], %select_n3A_251 {strides = array<i32>} : memref<4096xi32, #tpu.memory_space<vmem>>, vector<16xi32>,
          %mul3A_255 = arith.constant 16 : i32
          %mul3A_256 = arith.muli %scan3A_226, %mul3A_255 : i32
          %swap3A_257 = arith.index_cast %mul3A_256 : i32 to index
          %swap3A_258 = tpu.vector_load %arg10[%swap3A_257] {strides = array<i32>} : memref<4096xi32, #tpu.memory_space<vmem>>, vector<16xi32>,
          tpu.vector_store %arg10[%swap3A_257], %add3A_240 {strides = array<i32>} : memref<4096xi32, #tpu.memory_space<vmem>>, vector<16xi32>,
          %jit3A_259 = arith.constant 1 : i32
          %jit3A_260 = arith.constant 0 : i32
          %broadcast_in_dim3A_261 = vector.broadcast %jit3A_259 : i32 to vector<16xi32>
          %broadcast_in_dim3A_262 = vector.broadcast %jit3A_260 : i32 to vector<16xi32>
          %select_n3A_263 = arith.select %and3A_244, %broadcast_in_dim3A_261, %broadcast_in_dim3A_262 : vector<16xi1>, vector<16xi32>
          %add3A_264 = arith.addi %scan3A_227, %select_n3A_263 : vector<16xi32>
          scf.yield %add3A_264 : vector<16xi32>
        }
        %scan3A_221 = arith.constant 256 : i32
        %dma_start3A_222 = arith.constant 0 : i32
        %dma_start3A_223 = tpu.memref_slice %arg6[%dma_start3A_222] : memref<504096xi32, #tpu.memory_space<vmem_shared>> -> memref<504096xi32, #tpu.memory_space<vmem_shared>>
        tpu.enqueue_indirect_dma source(%arg10 : memref<4096xi32, #tpu.memory_space<vmem>>) target(%dma_start3A_223 : memref<504096xi32, #tpu.memory_space<vmem_shared>>) offsets(%arg9 : memref<4096xi32, #tpu.memory_space<vmem>>) semaphore(%arg21 : memref<!tpu.dma_semaphore, #tpu.memory_space<semaphore_mem>>)
        %dma_wait3A_224 = arith.constant 0 : i32
        %dma_wait3A_225 = tpu.memref_slice %arg6[%dma_wait3A_224] : memref<504096xi32, #tpu.memory_space<vmem_shared>> -> memref<504096xi32, #tpu.memory_space<vmem_shared>>
        tpu.wait_indirect_dma semaphore(%arg21 : memref<!tpu.dma_semaphore, #tpu.memory_space<semaphore_mem>>) src(%arg10 : memref<4096xi32, #tpu.memory_space<vmem>>) dst(%dma_wait3A_225 : memref<504096xi32, #tpu.memory_space<vmem_shared>>)
        scf.yield %scan3A_220 : vector<16xi32>
      }
      %while3A_121 = arith.constant 1 : i32
      %while3A_122 = scf.for %while3A_184 = %while3A_118 to %while3A_114 step %while3A_121 iter_args(%while3A_185 = %while3A_120) -> (vector<16xi32>)  : i32 {
        %mul3A_186 = arith.constant 16 : i32
        %mul3A_187 = arith.muli %mul3A_186, %while3A_184 : i32
        %add3A_188 = arith.addi %arg1, %mul3A_187 : i32
        %mul3A_189 = arith.constant 4000 : i32
        %mul3A_190 = arith.muli %add3A_188, %mul3A_189 : i32
        %mul3A_191 = arith.constant 4000 : i32
        %mul3A_192 = arith.muli %add3A_188, %mul3A_191 : i32
        %dma_start3A_193 = arith.constant 0 : i32
        %dma_start3A_194 = tpu.memref_slice %arg8[%dma_start3A_193] : memref<4096xi32, #tpu.memory_space<vmem>> -> memref<4000xi32, #tpu.memory_space<vmem>>
        %dma_start3A_195 = tpu.memref_slice %arg4[%mul3A_192] : memref<1000000xi32, #tpu.memory_space<hbm>> -> memref<4000xi32, #tpu.memory_space<hbm>>
        %dma_start3A_196 = arith.constant 0 : i32
        %dma_start3A_197 = tpu.memref_slice %arg8[%dma_start3A_196] : memref<4096xi32, #tpu.memory_space<vmem>> -> memref<4000xi32, #tpu.memory_space<vmem>>
        %dma_start3A_198 = tpu.memref_slice %arg4[%mul3A_192] : memref<1000000xi32, #tpu.memory_space<hbm>> -> memref<4000xi32, #tpu.memory_space<hbm>>
        tpu.enqueue_dma source(%dma_start3A_198 : memref<4000xi32, #tpu.memory_space<hbm>>) target(%dma_start3A_197 : memref<4000xi32, #tpu.memory_space<vmem>>) target_semaphore(%arg22 : memref<!tpu.dma_semaphore, #tpu.memory_space<semaphore_mem>>)
        %dma_wait3A_199 = arith.constant 0 : i32
        %dma_wait3A_200 = tpu.memref_slice %arg8[%dma_wait3A_199] : memref<4096xi32, #tpu.memory_space<vmem>> -> memref<4000xi32, #tpu.memory_space<vmem>>
        %dma_wait3A_201 = tpu.memref_slice %arg4[%mul3A_192] : memref<1000000xi32, #tpu.memory_space<hbm>> -> memref<4000xi32, #tpu.memory_space<hbm>>
        %dma_wait3A_202 = arith.constant 0 : i32
        %dma_wait3A_203 = tpu.memref_slice %arg8[%dma_wait3A_202] : memref<4096xi32, #tpu.memory_space<vmem>> -> memref<4000xi32, #tpu.memory_space<vmem>>
        %dma_wait3A_204 = tpu.memref_slice %arg4[%mul3A_192] : memref<1000000xi32, #tpu.memory_space<hbm>> -> memref<4000xi32, #tpu.memory_space<hbm>>
        tpu.wait_dma2 semaphore(%arg22 : memref<!tpu.dma_semaphore, #tpu.memory_space<semaphore_mem>>) src(%dma_wait3A_204 : memref<4000xi32, #tpu.memory_space<hbm>>) dst(%dma_wait3A_203 : memref<4000xi32, #tpu.memory_space<vmem>>)
        %scan3A_205 = arith.constant 0 : i32
        %scan3A_206 = arith.constant 0 : i32
        %scan3A_207 = arith.constant 256 : i32
        %scan3A_208 = arith.addi %scan3A_206, %scan3A_207 : i32
        %scan3A_209 = arith.constant 1 : i32
        %scan3A_210 = scf.for %scan3A_226 = %scan3A_206 to %scan3A_208 step %scan3A_209 iter_args(%scan3A_227 = %scan3A_205) -> (i32)  : i32 {
          %mul3A_228 = arith.constant 16 : i32
          %mul3A_229 = arith.muli %scan3A_226, %mul3A_228 : i32
          %get3A = arith.index_cast %mul3A_229 : i32 to index
          %get3A_230 = tpu.vector_load %arg8[%get3A] {strides = array<i32>} : memref<4096xi32, #tpu.memory_space<vmem>>, vector<16xi32>,
          %mul3A_231 = arith.constant 16 : i32
          %mul3A_232 = arith.muli %scan3A_226, %mul3A_231 : i32
          %add3A_233 = vector.broadcast %mul3A_232 : i32 to vector<16xi32>
          %add3A_234 = arith.addi %iota3A, %add3A_233 : vector<16xi32>
          %sub3A_235 = vector.broadcast %mul3A_0 : i32 to vector<16xi32>
          %sub3A_236 = arith.subi %get3A_230, %sub3A_235 : vector<16xi32>
          %add3A_237 = vector.broadcast %mul3A_190 : i32 to vector<16xi32>
          %add3A_238 = arith.addi %add3A_234, %add3A_237 : vector<16xi32>
          %ge3A = arith.constant 0 : i32
          %ge3A_239 = vector.broadcast %ge3A : i32 to vector<16xi32>
          %ge3A_240 = arith.cmpi sge, %sub3A_236, %ge3A_239 : vector<16xi32>
          %lt3A = arith.constant 500000 : i32
          %lt3A_241 = vector.broadcast %lt3A : i32 to vector<16xi32>
          %lt3A_242 = arith.cmpi slt, %sub3A_236, %lt3A_241 : vector<16xi32>
          %and3A_243 = arith.andi %ge3A_240, %lt3A_242 : vector<16xi1>
          %lt3A_244 = arith.constant 4000 : i32
          %lt3A_245 = vector.broadcast %lt3A_244 : i32 to vector<16xi32>
          %lt3A_246 = arith.cmpi slt, %add3A_234, %lt3A_245 : vector<16xi32>
          %and3A_247 = arith.andi %and3A_243, %lt3A_246 : vector<16xi1>
          %and3A_248 = arith.constant 4095 : i32
          %and3A_249 = vector.broadcast %and3A_248 : i32 to vector<16xi32>
          %and3A_250 = arith.andi %add3A_238, %and3A_249 : vector<16xi32>
          %add3A_251 = arith.constant 500000 : i32
          %add3A_252 = vector.broadcast %add3A_251 : i32 to vector<16xi32>
          %add3A_253 = arith.addi %add3A_252, %and3A_250 : vector<16xi32>
          %select_n3A_254 = arith.select %and3A_247, %sub3A_236, %add3A_253 : vector<16xi1>, vector<16xi32>
          %mul3A_255 = arith.constant 16 : i32
          %mul3A_256 = arith.muli %scan3A_226, %mul3A_255 : i32
          %swap3A = arith.index_cast %mul3A_256 : i32 to index
          %swap3A_257 = tpu.vector_load %arg9[%swap3A] {strides = array<i32>} : memref<4096xi32, #tpu.memory_space<vmem>>, vector<16xi32>,
          tpu.vector_store %arg9[%swap3A], %select_n3A_254 {strides = array<i32>} : memref<4096xi32, #tpu.memory_space<vmem>>, vector<16xi32>,
          %scan3A_258 = arith.constant 0 : i32
          scf.yield %scan3A_258 : i32
        }
        %scan3A_211 = arith.constant 256 : i32
        %dma_start3A_212 = arith.constant 0 : i32
        %dma_start3A_213 = tpu.memref_slice %arg6[%dma_start3A_212] : memref<504096xi32, #tpu.memory_space<vmem_shared>> -> memref<504096xi32, #tpu.memory_space<vmem_shared>>
        tpu.enqueue_indirect_dma source(%dma_start3A_213 : memref<504096xi32, #tpu.memory_space<vmem_shared>>) target(%arg11 : memref<4096xi32, #tpu.memory_space<vmem>>) offsets(%arg9 : memref<4096xi32, #tpu.memory_space<vmem>>) semaphore(%arg20 : memref<!tpu.dma_semaphore, #tpu.memory_space<semaphore_mem>>)
        %dma_wait3A_214 = arith.constant 0 : i32
        %dma_wait3A_215 = tpu.memref_slice %arg6[%dma_wait3A_214] : memref<504096xi32, #tpu.memory_space<vmem_shared>> -> memref<504096xi32, #tpu.memory_space<vmem_shared>>
        tpu.wait_indirect_dma semaphore(%arg20 : memref<!tpu.dma_semaphore, #tpu.memory_space<semaphore_mem>>) src(%dma_wait3A_215 : memref<504096xi32, #tpu.memory_space<vmem_shared>>) dst(%arg11 : memref<4096xi32, #tpu.memory_space<vmem>>)
        %scan3A_216 = arith.constant 0 : i32
        %scan3A_217 = arith.constant 256 : i32
        %scan3A_218 = arith.addi %scan3A_216, %scan3A_217 : i32
        %scan3A_219 = arith.constant 1 : i32
        %scan3A_220 = scf.for %scan3A_226 = %scan3A_216 to %scan3A_218 step %scan3A_219 iter_args(%scan3A_227 = %while3A_185) -> (vector<16xi32>)  : i32 {
          %mul3A_228 = arith.constant 16 : i32
          %mul3A_229 = arith.muli %scan3A_226, %mul3A_228 : i32
          %get3A = arith.index_cast %mul3A_229 : i32 to index
          %get3A_230 = tpu.vector_load %arg9[%get3A] {strides = array<i32>} : memref<4096xi32, #tpu.memory_space<vmem>>, vector<16xi32>,
          %mul3A_231 = arith.constant 16 : i32
          %mul3A_232 = arith.muli %scan3A_226, %mul3A_231 : i32
          %get3A_233 = arith.index_cast %mul3A_232 : i32 to index
          %get3A_234 = tpu.vector_load %arg11[%get3A_233] {strides = array<i32>} : memref<4096xi32, #tpu.memory_space<vmem>>, vector<16xi32>,
          %mul3A_235 = arith.constant 16 : i32
          %mul3A_236 = arith.muli %scan3A_226, %mul3A_235 : i32
          %add3A_237 = vector.broadcast %mul3A_236 : i32 to vector<16xi32>
          %add3A_238 = arith.addi %iota3A, %add3A_237 : vector<16xi32>
          %add3A_239 = vector.broadcast %mul3A_190 : i32 to vector<16xi32>
          %add3A_240 = arith.addi %add3A_238, %add3A_239 : vector<16xi32>
          %lt3A = arith.constant 500000 : i32
          %lt3A_241 = vector.broadcast %lt3A : i32 to vector<16xi32>
          %lt3A_242 = arith.cmpi slt, %get3A_230, %lt3A_241 : vector<16xi32>
          %lt3A_243 = arith.cmpi slt, %get3A_234, %add3A_240 : vector<16xi32>
          %and3A_244 = arith.andi %lt3A_242, %lt3A_243 : vector<16xi1>
          %and3A_245 = arith.constant 4095 : i32
          %and3A_246 = vector.broadcast %and3A_245 : i32 to vector<16xi32>
          %and3A_247 = arith.andi %add3A_240, %and3A_246 : vector<16xi32>
          %add3A_248 = arith.constant 500000 : i32
          %add3A_249 = vector.broadcast %add3A_248 : i32 to vector<16xi32>
          %add3A_250 = arith.addi %add3A_249, %and3A_247 : vector<16xi32>
          %select_n3A_251 = arith.select %and3A_244, %get3A_230, %add3A_250 : vector<16xi1>, vector<16xi32>
          %mul3A_252 = arith.constant 16 : i32
          %mul3A_253 = arith.muli %scan3A_226, %mul3A_252 : i32
          %swap3A = arith.index_cast %mul3A_253 : i32 to index
          %swap3A_254 = tpu.vector_load %arg9[%swap3A] {strides = array<i32>} : memref<4096xi32, #tpu.memory_space<vmem>>, vector<16xi32>,
          tpu.vector_store %arg9[%swap3A], %select_n3A_251 {strides = array<i32>} : memref<4096xi32, #tpu.memory_space<vmem>>, vector<16xi32>,
          %mul3A_255 = arith.constant 16 : i32
          %mul3A_256 = arith.muli %scan3A_226, %mul3A_255 : i32
          %swap3A_257 = arith.index_cast %mul3A_256 : i32 to index
          %swap3A_258 = tpu.vector_load %arg10[%swap3A_257] {strides = array<i32>} : memref<4096xi32, #tpu.memory_space<vmem>>, vector<16xi32>,
          tpu.vector_store %arg10[%swap3A_257], %add3A_240 {strides = array<i32>} : memref<4096xi32, #tpu.memory_space<vmem>>, vector<16xi32>,
          %jit3A_259 = arith.constant 1 : i32
          %jit3A_260 = arith.constant 0 : i32
          %broadcast_in_dim3A_261 = vector.broadcast %jit3A_259 : i32 to vector<16xi32>
          %broadcast_in_dim3A_262 = vector.broadcast %jit3A_260 : i32 to vector<16xi32>
          %select_n3A_263 = arith.select %and3A_244, %broadcast_in_dim3A_261, %broadcast_in_dim3A_262 : vector<16xi1>, vector<16xi32>
          %add3A_264 = arith.addi %scan3A_227, %select_n3A_263 : vector<16xi32>
          scf.yield %add3A_264 : vector<16xi32>
        }
        %scan3A_221 = arith.constant 256 : i32
        %dma_start3A_222 = arith.constant 0 : i32
        %dma_start3A_223 = tpu.memref_slice %arg6[%dma_start3A_222] : memref<504096xi32, #tpu.memory_space<vmem_shared>> -> memref<504096xi32, #tpu.memory_space<vmem_shared>>
        tpu.enqueue_indirect_dma source(%arg10 : memref<4096xi32, #tpu.memory_space<vmem>>) target(%dma_start3A_223 : memref<504096xi32, #tpu.memory_space<vmem_shared>>) offsets(%arg9 : memref<4096xi32, #tpu.memory_space<vmem>>) semaphore(%arg21 : memref<!tpu.dma_semaphore, #tpu.memory_space<semaphore_mem>>)
        %dma_wait3A_224 = arith.constant 0 : i32
        %dma_wait3A_225 = tpu.memref_slice %arg6[%dma_wait3A_224] : memref<504096xi32, #tpu.memory_space<vmem_shared>> -> memref<504096xi32, #tpu.memory_space<vmem_shared>>
        tpu.wait_indirect_dma semaphore(%arg21 : memref<!tpu.dma_semaphore, #tpu.memory_space<semaphore_mem>>) src(%arg10 : memref<4096xi32, #tpu.memory_space<vmem>>) dst(%dma_wait3A_225 : memref<504096xi32, #tpu.memory_space<vmem_shared>>)
        scf.yield %scan3A_220 : vector<16xi32>
      }
      %gt3A_123 = arith.constant 0 : i32
      %gt3A_124 = arith.cmpi sgt, %scan3A_108, %gt3A_123 : i32
      %jit3A_125 = arith.constant 1 : i32
      %jit3A_126 = arith.constant 0 : i32
      %select_n3A_127 = arith.select %gt3A_124, %jit3A_125, %jit3A_126 : i32
      %slice3A = vector.extract_strided_slice %while3A_122 {offsets = [0], sizes = [1], strides = [1]} : vector<16xi32> to vector<1xi32>
      %squeeze3A = vector.extract %slice3A[0] : i32 from vector<1xi32>
      %slice3A_128 = vector.extract_strided_slice %while3A_122 {offsets = [1], sizes = [1], strides = [1]} : vector<16xi32> to vector<1xi32>
      %squeeze3A_129 = vector.extract %slice3A_128[0] : i32 from vector<1xi32>
      %add3A_130 = arith.addi %squeeze3A, %squeeze3A_129 : i32
      %slice3A_131 = vector.extract_strided_slice %while3A_122 {offsets = [2], sizes = [1], strides = [1]} : vector<16xi32> to vector<1xi32>
      %squeeze3A_132 = vector.extract %slice3A_131[0] : i32 from vector<1xi32>
      %add3A_133 = arith.addi %add3A_130, %squeeze3A_132 : i32
      %slice3A_134 = vector.extract_strided_slice %while3A_122 {offsets = [3], sizes = [1], strides = [1]} : vector<16xi32> to vector<1xi32>
      %squeeze3A_135 = vector.extract %slice3A_134[0] : i32 from vector<1xi32>
      %add3A_136 = arith.addi %add3A_133, %squeeze3A_135 : i32
      %slice3A_137 = vector.extract_strided_slice %while3A_122 {offsets = [4], sizes = [1], strides = [1]} : vector<16xi32> to vector<1xi32>
      %squeeze3A_138 = vector.extract %slice3A_137[0] : i32 from vector<1xi32>
      %add3A_139 = arith.addi %add3A_136, %squeeze3A_138 : i32
      %slice3A_140 = vector.extract_strided_slice %while3A_122 {offsets = [5], sizes = [1], strides = [1]} : vector<16xi32> to vector<1xi32>
      %squeeze3A_141 = vector.extract %slice3A_140[0] : i32 from vector<1xi32>
      %add3A_142 = arith.addi %add3A_139, %squeeze3A_141 : i32
      %slice3A_143 = vector.extract_strided_slice %while3A_122 {offsets = [6], sizes = [1], strides = [1]} : vector<16xi32> to vector<1xi32>
      %squeeze3A_144 = vector.extract %slice3A_143[0] : i32 from vector<1xi32>
      %add3A_145 = arith.addi %add3A_142, %squeeze3A_144 : i32
      %slice3A_146 = vector.extract_strided_slice %while3A_122 {offsets = [7], sizes = [1], strides = [1]} : vector<16xi32> to vector<1xi32>
      %squeeze3A_147 = vector.extract %slice3A_146[0] : i32 from vector<1xi32>
      %add3A_148 = arith.addi %add3A_145, %squeeze3A_147 : i32
      %slice3A_149 = vector.extract_strided_slice %while3A_122 {offsets = [8], sizes = [1], strides = [1]} : vector<16xi32> to vector<1xi32>
      %squeeze3A_150 = vector.extract %slice3A_149[0] : i32 from vector<1xi32>
      %add3A_151 = arith.addi %add3A_148, %squeeze3A_150 : i32
      %slice3A_152 = vector.extract_strided_slice %while3A_122 {offsets = [9], sizes = [1], strides = [1]} : vector<16xi32> to vector<1xi32>
      %squeeze3A_153 = vector.extract %slice3A_152[0] : i32 from vector<1xi32>
      %add3A_154 = arith.addi %add3A_151, %squeeze3A_153 : i32
      %slice3A_155 = vector.extract_strided_slice %while3A_122 {offsets = [10], sizes = [1], strides = [1]} : vector<16xi32> to vector<1xi32>
      %squeeze3A_156 = vector.extract %slice3A_155[0] : i32 from vector<1xi32>
      %add3A_157 = arith.addi %add3A_154, %squeeze3A_156 : i32
      %slice3A_158 = vector.extract_strided_slice %while3A_122 {offsets = [11], sizes = [1], strides = [1]} : vector<16xi32> to vector<1xi32>
      %squeeze3A_159 = vector.extract %slice3A_158[0] : i32 from vector<1xi32>
      %add3A_160 = arith.addi %add3A_157, %squeeze3A_159 : i32
      %slice3A_161 = vector.extract_strided_slice %while3A_122 {offsets = [12], sizes = [1], strides = [1]} : vector<16xi32> to vector<1xi32>
      %squeeze3A_162 = vector.extract %slice3A_161[0] : i32 from vector<1xi32>
      %add3A_163 = arith.addi %add3A_160, %squeeze3A_162 : i32
      %slice3A_164 = vector.extract_strided_slice %while3A_122 {offsets = [13], sizes = [1], strides = [1]} : vector<16xi32> to vector<1xi32>
      %squeeze3A_165 = vector.extract %slice3A_164[0] : i32 from vector<1xi32>
      %add3A_166 = arith.addi %add3A_163, %squeeze3A_165 : i32
      %slice3A_167 = vector.extract_strided_slice %while3A_122 {offsets = [14], sizes = [1], strides = [1]} : vector<16xi32> to vector<1xi32>
      %squeeze3A_168 = vector.extract %slice3A_167[0] : i32 from vector<1xi32>
      %add3A_169 = arith.addi %add3A_166, %squeeze3A_168 : i32
      %slice3A_170 = vector.extract_strided_slice %while3A_122 {offsets = [15], sizes = [1], strides = [1]} : vector<16xi32> to vector<1xi32>
      %squeeze3A_171 = vector.extract %slice3A_170[0] : i32 from vector<1xi32>
      %add3A_172 = arith.addi %add3A_169, %squeeze3A_171 : i32
      %while3A_173 = arith.constant 0 : i32
      %while3A_174 = arith.subi %select_n3A_127, %while3A_173 : i32
      %while3A_175 = arith.addi %while3A_173, %while3A_174 : i32
      %while3A_176 = arith.constant 1 : i32
      %while3A_177 = arith.divsi %while3A_174, %while3A_176 : i32
      %while3A_178 = arith.muli %while3A_177, %while3A_176 : i32
      %while3A_179 = arith.addi %while3A_173, %while3A_178 : i32
      %while3A_180 = arith.constant 1 : i32
      %while3A_181 = scf.for %while3A_184 = %while3A_173 to %while3A_179 step %while3A_180 iter_args(%while3A_185 = %add3A_172) -> (i32)  : i32 {
        %eq3A = arith.constant 0 : i32
        %eq3A_186 = vector.broadcast %eq3A : i32 to vector<16xi32>
        %eq3A_187 = arith.cmpi eq, %iota3A, %eq3A_186 : vector<16xi32>
        %jit3A_188 = arith.constant 0 : i32
        %broadcast_in_dim3A_189 = vector.broadcast %while3A_185 : i32 to vector<16xi32>
        %broadcast_in_dim3A_190 = vector.broadcast %jit3A_188 : i32 to vector<16xi32>
        %select_n3A_191 = arith.select %eq3A_187, %broadcast_in_dim3A_189, %broadcast_in_dim3A_190 : vector<16xi1>, vector<16xi32>
        %swap3A = arith.constant 0 : index
        %swap3A_192 = tpu.vector_load %arg19[%swap3A] {strides = array<i32>} : memref<16xi32, #tpu.memory_space<vmem>>, vector<16xi32>,
        tpu.vector_store %arg19[%swap3A], %select_n3A_191 {strides = array<i32>} : memref<16xi32, #tpu.memory_space<vmem>>, vector<16xi32>,
        %mul3A_193 = arith.constant 8 : i32
        %mul3A_194 = arith.muli %arg1, %mul3A_193 : i32
        %dma_start3A_195 = arith.constant 0 : i32
        %dma_start3A_196 = tpu.memref_slice %arg19[%dma_start3A_195] : memref<16xi32, #tpu.memory_space<vmem>> -> memref<8xi32, #tpu.memory_space<vmem>>
        %dma_start3A_197 = tpu.memref_slice %arg7[%mul3A_194] : memref<128xi32, #tpu.memory_space<vmem_shared>> -> memref<8xi32, #tpu.memory_space<vmem_shared>>
        %dma_start3A_198 = tpu.memref_slice %arg7[%mul3A_194] : memref<128xi32, #tpu.memory_space<vmem_shared>> -> memref<8xi32, #tpu.memory_space<vmem_shared>>
        %dma_start3A_199 = arith.constant 0 : i32
        %dma_start3A_200 = tpu.memref_slice %arg19[%dma_start3A_199] : memref<16xi32, #tpu.memory_space<vmem>> -> memref<8xi32, #tpu.memory_space<vmem>>
        tpu.enqueue_dma source(%dma_start3A_200 : memref<8xi32, #tpu.memory_space<vmem>>) target(%dma_start3A_198 : memref<8xi32, #tpu.memory_space<vmem_shared>>) target_semaphore(%arg22 : memref<!tpu.dma_semaphore, #tpu.memory_space<semaphore_mem>>)
        %dma_wait3A_201 = arith.constant 0 : i32
        %dma_wait3A_202 = tpu.memref_slice %arg19[%dma_wait3A_201] : memref<16xi32, #tpu.memory_space<vmem>> -> memref<8xi32, #tpu.memory_space<vmem>>
        %dma_wait3A_203 = tpu.memref_slice %arg7[%mul3A_194] : memref<128xi32, #tpu.memory_space<vmem_shared>> -> memref<8xi32, #tpu.memory_space<vmem_shared>>
        %dma_wait3A_204 = tpu.memref_slice %arg7[%mul3A_194] : memref<128xi32, #tpu.memory_space<vmem_shared>> -> memref<8xi32, #tpu.memory_space<vmem_shared>>
        %dma_wait3A_205 = arith.constant 0 : i32
        %dma_wait3A_206 = tpu.memref_slice %arg19[%dma_wait3A_205] : memref<16xi32, #tpu.memory_space<vmem>> -> memref<8xi32, #tpu.memory_space<vmem>>
        tpu.wait_dma2 semaphore(%arg22 : memref<!tpu.dma_semaphore, #tpu.memory_space<semaphore_mem>>) src(%dma_wait3A_206 : memref<8xi32, #tpu.memory_space<vmem>>) dst(%dma_wait3A_204 : memref<8xi32, #tpu.memory_space<vmem_shared>>)
        %barrier3A_207 = arith.constant 0 : index
        tpu.barrier barrier_id(%barrier3A_207)
        tpu.enqueue_dma source(%arg7 : memref<128xi32, #tpu.memory_space<vmem_shared>>) target(%arg18 : memref<128xi32, #tpu.memory_space<vmem>>) target_semaphore(%arg22 : memref<!tpu.dma_semaphore, #tpu.memory_space<semaphore_mem>>)
        tpu.wait_dma2 semaphore(%arg22 : memref<!tpu.dma_semaphore, #tpu.memory_space<semaphore_mem>>) src(%arg7 : memref<128xi32, #tpu.memory_space<vmem_shared>>) dst(%arg18 : memref<128xi32, #tpu.memory_space<vmem>>)
        %get3A = arith.constant 0 : index
        %get3A_208 = tpu.vector_load %arg18[%get3A] {strides = array<i32>} : memref<128xi32, #tpu.memory_space<vmem>>, vector<16xi32>,
        %slice3A_209 = vector.extract_strided_slice %get3A_208 {offsets = [0], sizes = [1], strides = [1]} : vector<16xi32> to vector<1xi32>
        %squeeze3A_210 = vector.extract %slice3A_209[0] : i32 from vector<1xi32>
        %add3A_211 = arith.constant 0 : i32
        %add3A_212 = arith.addi %add3A_211, %squeeze3A_210 : i32
        %slice3A_213 = vector.extract_strided_slice %get3A_208 {offsets = [8], sizes = [1], strides = [1]} : vector<16xi32> to vector<1xi32>
        %squeeze3A_214 = vector.extract %slice3A_213[0] : i32 from vector<1xi32>
        %add3A_215 = arith.addi %add3A_212, %squeeze3A_214 : i32
        %get3A_216 = arith.constant 16 : index
        %get3A_217 = tpu.vector_load %arg18[%get3A_216] {strides = array<i32>} : memref<128xi32, #tpu.memory_space<vmem>>, vector<16xi32>,
        %slice3A_218 = vector.extract_strided_slice %get3A_217 {offsets = [0], sizes = [1], strides = [1]} : vector<16xi32> to vector<1xi32>
        %squeeze3A_219 = vector.extract %slice3A_218[0] : i32 from vector<1xi32>
        %add3A_220 = arith.addi %add3A_215, %squeeze3A_219 : i32
        %slice3A_221 = vector.extract_strided_slice %get3A_217 {offsets = [8], sizes = [1], strides = [1]} : vector<16xi32> to vector<1xi32>
        %squeeze3A_222 = vector.extract %slice3A_221[0] : i32 from vector<1xi32>
        %add3A_223 = arith.addi %add3A_220, %squeeze3A_222 : i32
        %get3A_224 = arith.constant 32 : index
        %get3A_225 = tpu.vector_load %arg18[%get3A_224] {strides = array<i32>} : memref<128xi32, #tpu.memory_space<vmem>>, vector<16xi32>,
        %slice3A_226 = vector.extract_strided_slice %get3A_225 {offsets = [0], sizes = [1], strides = [1]} : vector<16xi32> to vector<1xi32>
        %squeeze3A_227 = vector.extract %slice3A_226[0] : i32 from vector<1xi32>
        %add3A_228 = arith.addi %add3A_223, %squeeze3A_227 : i32
        %slice3A_229 = vector.extract_strided_slice %get3A_225 {offsets = [8], sizes = [1], strides = [1]} : vector<16xi32> to vector<1xi32>
        %squeeze3A_230 = vector.extract %slice3A_229[0] : i32 from vector<1xi32>
        %add3A_231 = arith.addi %add3A_228, %squeeze3A_230 : i32
        %get3A_232 = arith.constant 48 : index
        %get3A_233 = tpu.vector_load %arg18[%get3A_232] {strides = array<i32>} : memref<128xi32, #tpu.memory_space<vmem>>, vector<16xi32>,
        %slice3A_234 = vector.extract_strided_slice %get3A_233 {offsets = [0], sizes = [1], strides = [1]} : vector<16xi32> to vector<1xi32>
        %squeeze3A_235 = vector.extract %slice3A_234[0] : i32 from vector<1xi32>
        %add3A_236 = arith.addi %add3A_231, %squeeze3A_235 : i32
        %slice3A_237 = vector.extract_strided_slice %get3A_233 {offsets = [8], sizes = [1], strides = [1]} : vector<16xi32> to vector<1xi32>
        %squeeze3A_238 = vector.extract %slice3A_237[0] : i32 from vector<1xi32>
        %add3A_239 = arith.addi %add3A_236, %squeeze3A_238 : i32
        %get3A_240 = arith.constant 64 : index
        %get3A_241 = tpu.vector_load %arg18[%get3A_240] {strides = array<i32>} : memref<128xi32, #tpu.memory_space<vmem>>, vector<16xi32>,
        %slice3A_242 = vector.extract_strided_slice %get3A_241 {offsets = [0], sizes = [1], strides = [1]} : vector<16xi32> to vector<1xi32>
        %squeeze3A_243 = vector.extract %slice3A_242[0] : i32 from vector<1xi32>
        %add3A_244 = arith.addi %add3A_239, %squeeze3A_243 : i32
        %slice3A_245 = vector.extract_strided_slice %get3A_241 {offsets = [8], sizes = [1], strides = [1]} : vector<16xi32> to vector<1xi32>
        %squeeze3A_246 = vector.extract %slice3A_245[0] : i32 from vector<1xi32>
        %add3A_247 = arith.addi %add3A_244, %squeeze3A_246 : i32
        %get3A_248 = arith.constant 80 : index
        %get3A_249 = tpu.vector_load %arg18[%get3A_248] {strides = array<i32>} : memref<128xi32, #tpu.memory_space<vmem>>, vector<16xi32>,
        %slice3A_250 = vector.extract_strided_slice %get3A_249 {offsets = [0], sizes = [1], strides = [1]} : vector<16xi32> to vector<1xi32>
        %squeeze3A_251 = vector.extract %slice3A_250[0] : i32 from vector<1xi32>
        %add3A_252 = arith.addi %add3A_247, %squeeze3A_251 : i32
        %slice3A_253 = vector.extract_strided_slice %get3A_249 {offsets = [8], sizes = [1], strides = [1]} : vector<16xi32> to vector<1xi32>
        %squeeze3A_254 = vector.extract %slice3A_253[0] : i32 from vector<1xi32>
        %add3A_255 = arith.addi %add3A_252, %squeeze3A_254 : i32
        %get3A_256 = arith.constant 96 : index
        %get3A_257 = tpu.vector_load %arg18[%get3A_256] {strides = array<i32>} : memref<128xi32, #tpu.memory_space<vmem>>, vector<16xi32>,
        %slice3A_258 = vector.extract_strided_slice %get3A_257 {offsets = [0], sizes = [1], strides = [1]} : vector<16xi32> to vector<1xi32>
        %squeeze3A_259 = vector.extract %slice3A_258[0] : i32 from vector<1xi32>
        %add3A_260 = arith.addi %add3A_255, %squeeze3A_259 : i32
        %slice3A_261 = vector.extract_strided_slice %get3A_257 {offsets = [8], sizes = [1], strides = [1]} : vector<16xi32> to vector<1xi32>
        %squeeze3A_262 = vector.extract %slice3A_261[0] : i32 from vector<1xi32>
        %add3A_263 = arith.addi %add3A_260, %squeeze3A_262 : i32
        %get3A_264 = arith.constant 112 : index
        %get3A_265 = tpu.vector_load %arg18[%get3A_264] {strides = array<i32>} : memref<128xi32, #tpu.memory_space<vmem>>, vector<16xi32>,
        %slice3A_266 = vector.extract_strided_slice %get3A_265 {offsets = [0], sizes = [1], strides = [1]} : vector<16xi32> to vector<1xi32>
        %squeeze3A_267 = vector.extract %slice3A_266[0] : i32 from vector<1xi32>
        %add3A_268 = arith.addi %add3A_263, %squeeze3A_267 : i32
        %slice3A_269 = vector.extract_strided_slice %get3A_265 {offsets = [8], sizes = [1], strides = [1]} : vector<16xi32> to vector<1xi32>
        %squeeze3A_270 = vector.extract %slice3A_269[0] : i32 from vector<1xi32>
        %add3A_271 = arith.addi %add3A_268, %squeeze3A_270 : i32
        %barrier3A_272 = arith.constant 0 : index
        tpu.barrier barrier_id(%barrier3A_272)
        scf.yield %add3A_271 : i32
      }
      %while3A_182 = arith.constant 1 : i32
      %while3A_183 = scf.for %while3A_184 = %while3A_179 to %while3A_175 step %while3A_182 iter_args(%while3A_185 = %while3A_181) -> (i32)  : i32 {
        %eq3A = arith.constant 0 : i32
        %eq3A_186 = vector.broadcast %eq3A : i32 to vector<16xi32>
        %eq3A_187 = arith.cmpi eq, %iota3A, %eq3A_186 : vector<16xi32>
        %jit3A_188 = arith.constant 0 : i32
        %broadcast_in_dim3A_189 = vector.broadcast %while3A_185 : i32 to vector<16xi32>
        %broadcast_in_dim3A_190 = vector.broadcast %jit3A_188 : i32 to vector<16xi32>
        %select_n3A_191 = arith.select %eq3A_187, %broadcast_in_dim3A_189, %broadcast_in_dim3A_190 : vector<16xi1>, vector<16xi32>
        %swap3A = arith.constant 0 : index
        %swap3A_192 = tpu.vector_load %arg19[%swap3A] {strides = array<i32>} : memref<16xi32, #tpu.memory_space<vmem>>, vector<16xi32>,
        tpu.vector_store %arg19[%swap3A], %select_n3A_191 {strides = array<i32>} : memref<16xi32, #tpu.memory_space<vmem>>, vector<16xi32>,
        %mul3A_193 = arith.constant 8 : i32
        %mul3A_194 = arith.muli %arg1, %mul3A_193 : i32
        %dma_start3A_195 = arith.constant 0 : i32
        %dma_start3A_196 = tpu.memref_slice %arg19[%dma_start3A_195] : memref<16xi32, #tpu.memory_space<vmem>> -> memref<8xi32, #tpu.memory_space<vmem>>
        %dma_start3A_197 = tpu.memref_slice %arg7[%mul3A_194] : memref<128xi32, #tpu.memory_space<vmem_shared>> -> memref<8xi32, #tpu.memory_space<vmem_shared>>
        %dma_start3A_198 = tpu.memref_slice %arg7[%mul3A_194] : memref<128xi32, #tpu.memory_space<vmem_shared>> -> memref<8xi32, #tpu.memory_space<vmem_shared>>
        %dma_start3A_199 = arith.constant 0 : i32
        %dma_start3A_200 = tpu.memref_slice %arg19[%dma_start3A_199] : memref<16xi32, #tpu.memory_space<vmem>> -> memref<8xi32, #tpu.memory_space<vmem>>
        tpu.enqueue_dma source(%dma_start3A_200 : memref<8xi32, #tpu.memory_space<vmem>>) target(%dma_start3A_198 : memref<8xi32, #tpu.memory_space<vmem_shared>>) target_semaphore(%arg22 : memref<!tpu.dma_semaphore, #tpu.memory_space<semaphore_mem>>)
        %dma_wait3A_201 = arith.constant 0 : i32
        %dma_wait3A_202 = tpu.memref_slice %arg19[%dma_wait3A_201] : memref<16xi32, #tpu.memory_space<vmem>> -> memref<8xi32, #tpu.memory_space<vmem>>
        %dma_wait3A_203 = tpu.memref_slice %arg7[%mul3A_194] : memref<128xi32, #tpu.memory_space<vmem_shared>> -> memref<8xi32, #tpu.memory_space<vmem_shared>>
        %dma_wait3A_204 = tpu.memref_slice %arg7[%mul3A_194] : memref<128xi32, #tpu.memory_space<vmem_shared>> -> memref<8xi32, #tpu.memory_space<vmem_shared>>
        %dma_wait3A_205 = arith.constant 0 : i32
        %dma_wait3A_206 = tpu.memref_slice %arg19[%dma_wait3A_205] : memref<16xi32, #tpu.memory_space<vmem>> -> memref<8xi32, #tpu.memory_space<vmem>>
        tpu.wait_dma2 semaphore(%arg22 : memref<!tpu.dma_semaphore, #tpu.memory_space<semaphore_mem>>) src(%dma_wait3A_206 : memref<8xi32, #tpu.memory_space<vmem>>) dst(%dma_wait3A_204 : memref<8xi32, #tpu.memory_space<vmem_shared>>)
        %barrier3A_207 = arith.constant 0 : index
        tpu.barrier barrier_id(%barrier3A_207)
        tpu.enqueue_dma source(%arg7 : memref<128xi32, #tpu.memory_space<vmem_shared>>) target(%arg18 : memref<128xi32, #tpu.memory_space<vmem>>) target_semaphore(%arg22 : memref<!tpu.dma_semaphore, #tpu.memory_space<semaphore_mem>>)
        tpu.wait_dma2 semaphore(%arg22 : memref<!tpu.dma_semaphore, #tpu.memory_space<semaphore_mem>>) src(%arg7 : memref<128xi32, #tpu.memory_space<vmem_shared>>) dst(%arg18 : memref<128xi32, #tpu.memory_space<vmem>>)
        %get3A = arith.constant 0 : index
        %get3A_208 = tpu.vector_load %arg18[%get3A] {strides = array<i32>} : memref<128xi32, #tpu.memory_space<vmem>>, vector<16xi32>,
        %slice3A_209 = vector.extract_strided_slice %get3A_208 {offsets = [0], sizes = [1], strides = [1]} : vector<16xi32> to vector<1xi32>
        %squeeze3A_210 = vector.extract %slice3A_209[0] : i32 from vector<1xi32>
        %add3A_211 = arith.constant 0 : i32
        %add3A_212 = arith.addi %add3A_211, %squeeze3A_210 : i32
        %slice3A_213 = vector.extract_strided_slice %get3A_208 {offsets = [8], sizes = [1], strides = [1]} : vector<16xi32> to vector<1xi32>
        %squeeze3A_214 = vector.extract %slice3A_213[0] : i32 from vector<1xi32>
        %add3A_215 = arith.addi %add3A_212, %squeeze3A_214 : i32
        %get3A_216 = arith.constant 16 : index
        %get3A_217 = tpu.vector_load %arg18[%get3A_216] {strides = array<i32>} : memref<128xi32, #tpu.memory_space<vmem>>, vector<16xi32>,
        %slice3A_218 = vector.extract_strided_slice %get3A_217 {offsets = [0], sizes = [1], strides = [1]} : vector<16xi32> to vector<1xi32>
        %squeeze3A_219 = vector.extract %slice3A_218[0] : i32 from vector<1xi32>
        %add3A_220 = arith.addi %add3A_215, %squeeze3A_219 : i32
        %slice3A_221 = vector.extract_strided_slice %get3A_217 {offsets = [8], sizes = [1], strides = [1]} : vector<16xi32> to vector<1xi32>
        %squeeze3A_222 = vector.extract %slice3A_221[0] : i32 from vector<1xi32>
        %add3A_223 = arith.addi %add3A_220, %squeeze3A_222 : i32
        %get3A_224 = arith.constant 32 : index
        %get3A_225 = tpu.vector_load %arg18[%get3A_224] {strides = array<i32>} : memref<128xi32, #tpu.memory_space<vmem>>, vector<16xi32>,
        %slice3A_226 = vector.extract_strided_slice %get3A_225 {offsets = [0], sizes = [1], strides = [1]} : vector<16xi32> to vector<1xi32>
        %squeeze3A_227 = vector.extract %slice3A_226[0] : i32 from vector<1xi32>
        %add3A_228 = arith.addi %add3A_223, %squeeze3A_227 : i32
        %slice3A_229 = vector.extract_strided_slice %get3A_225 {offsets = [8], sizes = [1], strides = [1]} : vector<16xi32> to vector<1xi32>
        %squeeze3A_230 = vector.extract %slice3A_229[0] : i32 from vector<1xi32>
        %add3A_231 = arith.addi %add3A_228, %squeeze3A_230 : i32
        %get3A_232 = arith.constant 48 : index
        %get3A_233 = tpu.vector_load %arg18[%get3A_232] {strides = array<i32>} : memref<128xi32, #tpu.memory_space<vmem>>, vector<16xi32>,
        %slice3A_234 = vector.extract_strided_slice %get3A_233 {offsets = [0], sizes = [1], strides = [1]} : vector<16xi32> to vector<1xi32>
        %squeeze3A_235 = vector.extract %slice3A_234[0] : i32 from vector<1xi32>
        %add3A_236 = arith.addi %add3A_231, %squeeze3A_235 : i32
        %slice3A_237 = vector.extract_strided_slice %get3A_233 {offsets = [8], sizes = [1], strides = [1]} : vector<16xi32> to vector<1xi32>
        %squeeze3A_238 = vector.extract %slice3A_237[0] : i32 from vector<1xi32>
        %add3A_239 = arith.addi %add3A_236, %squeeze3A_238 : i32
        %get3A_240 = arith.constant 64 : index
        %get3A_241 = tpu.vector_load %arg18[%get3A_240] {strides = array<i32>} : memref<128xi32, #tpu.memory_space<vmem>>, vector<16xi32>,
        %slice3A_242 = vector.extract_strided_slice %get3A_241 {offsets = [0], sizes = [1], strides = [1]} : vector<16xi32> to vector<1xi32>
        %squeeze3A_243 = vector.extract %slice3A_242[0] : i32 from vector<1xi32>
        %add3A_244 = arith.addi %add3A_239, %squeeze3A_243 : i32
        %slice3A_245 = vector.extract_strided_slice %get3A_241 {offsets = [8], sizes = [1], strides = [1]} : vector<16xi32> to vector<1xi32>
        %squeeze3A_246 = vector.extract %slice3A_245[0] : i32 from vector<1xi32>
        %add3A_247 = arith.addi %add3A_244, %squeeze3A_246 : i32
        %get3A_248 = arith.constant 80 : index
        %get3A_249 = tpu.vector_load %arg18[%get3A_248] {strides = array<i32>} : memref<128xi32, #tpu.memory_space<vmem>>, vector<16xi32>,
        %slice3A_250 = vector.extract_strided_slice %get3A_249 {offsets = [0], sizes = [1], strides = [1]} : vector<16xi32> to vector<1xi32>
        %squeeze3A_251 = vector.extract %slice3A_250[0] : i32 from vector<1xi32>
        %add3A_252 = arith.addi %add3A_247, %squeeze3A_251 : i32
        %slice3A_253 = vector.extract_strided_slice %get3A_249 {offsets = [8], sizes = [1], strides = [1]} : vector<16xi32> to vector<1xi32>
        %squeeze3A_254 = vector.extract %slice3A_253[0] : i32 from vector<1xi32>
        %add3A_255 = arith.addi %add3A_252, %squeeze3A_254 : i32
        %get3A_256 = arith.constant 96 : index
        %get3A_257 = tpu.vector_load %arg18[%get3A_256] {strides = array<i32>} : memref<128xi32, #tpu.memory_space<vmem>>, vector<16xi32>,
        %slice3A_258 = vector.extract_strided_slice %get3A_257 {offsets = [0], sizes = [1], strides = [1]} : vector<16xi32> to vector<1xi32>
        %squeeze3A_259 = vector.extract %slice3A_258[0] : i32 from vector<1xi32>
        %add3A_260 = arith.addi %add3A_255, %squeeze3A_259 : i32
        %slice3A_261 = vector.extract_strided_slice %get3A_257 {offsets = [8], sizes = [1], strides = [1]} : vector<16xi32> to vector<1xi32>
        %squeeze3A_262 = vector.extract %slice3A_261[0] : i32 from vector<1xi32>
        %add3A_263 = arith.addi %add3A_260, %squeeze3A_262 : i32
        %get3A_264 = arith.constant 112 : index
        %get3A_265 = tpu.vector_load %arg18[%get3A_264] {strides = array<i32>} : memref<128xi32, #tpu.memory_space<vmem>>, vector<16xi32>,
        %slice3A_266 = vector.extract_strided_slice %get3A_265 {offsets = [0], sizes = [1], strides = [1]} : vector<16xi32> to vector<1xi32>
        %squeeze3A_267 = vector.extract %slice3A_266[0] : i32 from vector<1xi32>
        %add3A_268 = arith.addi %add3A_263, %squeeze3A_267 : i32
        %slice3A_269 = vector.extract_strided_slice %get3A_265 {offsets = [8], sizes = [1], strides = [1]} : vector<16xi32> to vector<1xi32>
        %squeeze3A_270 = vector.extract %slice3A_269[0] : i32 from vector<1xi32>
        %add3A_271 = arith.addi %add3A_268, %squeeze3A_270 : i32
        %barrier3A_272 = arith.constant 0 : index
        tpu.barrier barrier_id(%barrier3A_272)
        scf.yield %add3A_271 : i32
      }
      scf.yield %while3A_183 : i32
    }
    %scan3A_94 = arith.constant 16 : i32
    %while3A_95 = arith.constant 0 : i32
    %while3A_96 = arith.constant 0 : i32
    %while3A_97 = arith.subi %select_n3A, %while3A_95 : i32
    %while3A_98 = arith.addi %while3A_95, %while3A_97 : i32
    %while3A_99 = arith.constant 1 : i32
    %while3A_100 = arith.divsi %while3A_97, %while3A_99 : i32
    %while3A_101 = arith.muli %while3A_100, %while3A_99 : i32
    %while3A_102 = arith.addi %while3A_95, %while3A_101 : i32
    %while3A_103 = arith.constant 1 : i32
    %while3A_104 = scf.for %while3A_107 = %while3A_95 to %while3A_102 step %while3A_103 iter_args(%while3A_108 = %while3A_96) -> (i32)  : i32 {
      %mul3A_109 = arith.constant 16 : i32
      %mul3A_110 = arith.muli %mul3A_109, %while3A_107 : i32
      %add3A_111 = arith.addi %arg1, %mul3A_110 : i32
      %mul3A_112 = arith.constant 400 : i32
      %mul3A_113 = arith.muli %add3A_111, %mul3A_112 : i32
      %add3A_114 = arith.addi %mul3A_0, %mul3A_113 : i32
      %mul3A_115 = arith.constant 32 : i32
      %mul3A_116 = arith.muli %add3A_114, %mul3A_115 : i32
      %dma_start3A_117 = tpu.memref_slice %arg6[%mul3A_113] : memref<504096xi32, #tpu.memory_space<vmem_shared>> -> memref<400xi32, #tpu.memory_space<vmem_shared>>
      %dma_start3A_118 = tpu.memref_slice %arg6[%mul3A_113] : memref<504096xi32, #tpu.memory_space<vmem_shared>> -> memref<400xi32, #tpu.memory_space<vmem_shared>>
      tpu.enqueue_dma source(%dma_start3A_118 : memref<400xi32, #tpu.memory_space<vmem_shared>>) target(%arg12 : memref<400xi32, #tpu.memory_space<vmem>>) target_semaphore(%arg22 : memref<!tpu.dma_semaphore, #tpu.memory_space<semaphore_mem>>)
      %dma_wait3A_119 = tpu.memref_slice %arg6[%mul3A_113] : memref<504096xi32, #tpu.memory_space<vmem_shared>> -> memref<400xi32, #tpu.memory_space<vmem_shared>>
      %dma_wait3A_120 = tpu.memref_slice %arg6[%mul3A_113] : memref<504096xi32, #tpu.memory_space<vmem_shared>> -> memref<400xi32, #tpu.memory_space<vmem_shared>>
      tpu.wait_dma2 semaphore(%arg22 : memref<!tpu.dma_semaphore, #tpu.memory_space<semaphore_mem>>) src(%dma_wait3A_120 : memref<400xi32, #tpu.memory_space<vmem_shared>>) dst(%arg12 : memref<400xi32, #tpu.memory_space<vmem>>)
      %scan3A_121 = arith.constant 0 : i32
      %scan3A_122 = arith.constant 0 : i32
      %scan3A_123 = arith.constant 25 : i32
      %scan3A_124 = arith.addi %scan3A_122, %scan3A_123 : i32
      %scan3A_125 = arith.constant 1 : i32
      %scan3A_126 = scf.for %scan3A_179 = %scan3A_122 to %scan3A_124 step %scan3A_125 iter_args(%scan3A_180 = %scan3A_121) -> (i32)  : i32 {
        %mul3A_181 = arith.constant 16 : i32
        %mul3A_182 = arith.muli %scan3A_179, %mul3A_181 : i32
        %get3A = arith.index_cast %mul3A_182 : i32 to index
        %get3A_183 = tpu.vector_load %arg12[%get3A] {strides = array<i32>} : memref<400xi32, #tpu.memory_space<vmem>>, vector<16xi32>,
        %add3A_184 = vector.broadcast %mul3A_113 : i32 to vector<16xi32>
        %add3A_185 = arith.addi %add3A_184, %iota3A : vector<16xi32>
        %mul3A_186 = arith.constant 16 : i32
        %mul3A_187 = arith.muli %scan3A_179, %mul3A_186 : i32
        %add3A_188 = vector.broadcast %mul3A_187 : i32 to vector<16xi32>
        %add3A_189 = arith.addi %add3A_185, %add3A_188 : vector<16xi32>
        %and3A_190 = arith.constant 524287 : i32
        %and3A_191 = vector.broadcast %and3A_190 : i32 to vector<16xi32>
        %and3A_192 = arith.andi %add3A_189, %and3A_191 : vector<16xi32>
        %lt3A = arith.constant 0 : i32
        %lt3A_193 = vector.broadcast %lt3A : i32 to vector<16xi32>
        %lt3A_194 = arith.cmpi slt, %get3A_183, %lt3A_193 : vector<16xi32>
        %select_n3A_195 = arith.select %lt3A_194, %and3A_192, %get3A_183 : vector<16xi1>, vector<16xi32>
        %mul3A_196 = arith.constant 16 : i32
        %mul3A_197 = arith.muli %scan3A_179, %mul3A_196 : i32
        %swap3A = arith.index_cast %mul3A_197 : i32 to index
        %swap3A_198 = tpu.vector_load %arg13[%swap3A] {strides = array<i32>} : memref<448xi32, #tpu.memory_space<vmem>>, vector<16xi32>,
        tpu.vector_store %arg13[%swap3A], %select_n3A_195 {strides = array<i32>} : memref<448xi32, #tpu.memory_space<vmem>>, vector<16xi32>,
        %scan3A_199 = arith.constant 0 : i32
        scf.yield %scan3A_199 : i32
      }
      %scan3A_127 = arith.constant 25 : i32
      %scan3A_128 = arith.constant 0 : i32
      %scan3A_129 = arith.constant 25 : i32
      %scan3A_130 = arith.constant 3 : i32
      %scan3A_131 = arith.addi %scan3A_129, %scan3A_130 : i32
      %scan3A_132 = arith.constant 1 : i32
      %scan3A_133 = scf.for %scan3A_179 = %scan3A_129 to %scan3A_131 step %scan3A_132 iter_args(%scan3A_180 = %scan3A_128) -> (i32)  : i32 {
        %add3A_181 = vector.broadcast %mul3A_113 : i32 to vector<16xi32>
        %add3A_182 = arith.addi %add3A_181, %iota3A : vector<16xi32>
        %mul3A_183 = arith.constant 16 : i32
        %mul3A_184 = arith.muli %scan3A_179, %mul3A_183 : i32
        %add3A_185 = vector.broadcast %mul3A_184 : i32 to vector<16xi32>
        %add3A_186 = arith.addi %add3A_182, %add3A_185 : vector<16xi32>
        %and3A_187 = arith.constant 524287 : i32
        %and3A_188 = vector.broadcast %and3A_187 : i32 to vector<16xi32>
        %and3A_189 = arith.andi %add3A_186, %and3A_188 : vector<16xi32>
        %mul3A_190 = arith.constant 16 : i32
        %mul3A_191 = arith.muli %scan3A_179, %mul3A_190 : i32
        %swap3A = arith.index_cast %mul3A_191 : i32 to index
        %swap3A_192 = tpu.vector_load %arg13[%swap3A] {strides = array<i32>} : memref<448xi32, #tpu.memory_space<vmem>>, vector<16xi32>,
        tpu.vector_store %arg13[%swap3A], %and3A_189 {strides = array<i32>} : memref<448xi32, #tpu.memory_space<vmem>>, vector<16xi32>,
        %scan3A_193 = arith.constant 0 : i32
        scf.yield %scan3A_193 : i32
      }
      %scan3A_134 = arith.constant 3 : i32
      %dma_start3A_135 = arith.constant 0 : i32
      %dma_start3A_136 = tpu.memref_slice %arg3[%dma_start3A_135] : memref<1000000xi32, #tpu.memory_space<hbm>> -> memref<1000000xi32, #tpu.memory_space<hbm>>
      tpu.enqueue_indirect_dma source(%dma_start3A_136 : memref<1000000xi32, #tpu.memory_space<hbm>>) target(%arg14 : memref<448xi32, #tpu.memory_space<vmem>>) offsets(%arg13 : memref<448xi32, #tpu.memory_space<vmem>>) semaphore(%arg20 : memref<!tpu.dma_semaphore, #tpu.memory_space<semaphore_mem>>)
      %dma_wait3A_137 = arith.constant 0 : i32
      %dma_wait3A_138 = tpu.memref_slice %arg3[%dma_wait3A_137] : memref<1000000xi32, #tpu.memory_space<hbm>> -> memref<1000000xi32, #tpu.memory_space<hbm>>
      tpu.wait_indirect_dma semaphore(%arg20 : memref<!tpu.dma_semaphore, #tpu.memory_space<semaphore_mem>>) src(%dma_wait3A_138 : memref<1000000xi32, #tpu.memory_space<hbm>>) dst(%arg14 : memref<448xi32, #tpu.memory_space<vmem>>)
      %scan3A_139 = arith.constant 0 : i32
      %scan3A_140 = arith.constant 0 : i32
      %scan3A_141 = arith.constant 28 : i32
      %scan3A_142 = arith.addi %scan3A_140, %scan3A_141 : i32
      %scan3A_143 = arith.constant 1 : i32
      %scan3A_144 = scf.for %scan3A_179 = %scan3A_140 to %scan3A_142 step %scan3A_143 iter_args(%scan3A_180 = %scan3A_139) -> (i32)  : i32 {
        %mul3A_181 = arith.constant 16 : i32
        %mul3A_182 = arith.muli %scan3A_179, %mul3A_181 : i32
        %get3A = arith.index_cast %mul3A_182 : i32 to index
        %get3A_183 = tpu.vector_load %arg14[%get3A] {strides = array<i32>} : memref<448xi32, #tpu.memory_space<vmem>>, vector<16xi32>,
        %shift_right_logical3A = arith.constant 2 : i32
        %shift_right_logical3A_184 = vector.broadcast %shift_right_logical3A : i32 to vector<16xi32>
        %shift_right_logical3A_185 = arith.shrui %get3A_183, %shift_right_logical3A_184 : vector<16xi32>
        %mul3A_186 = arith.constant 16 : i32
        %mul3A_187 = arith.muli %scan3A_179, %mul3A_186 : i32
        %swap3A = arith.index_cast %mul3A_187 : i32 to index
        %swap3A_188 = tpu.vector_load %arg13[%swap3A] {strides = array<i32>} : memref<448xi32, #tpu.memory_space<vmem>>, vector<16xi32>,
        tpu.vector_store %arg13[%swap3A], %shift_right_logical3A_185 {strides = array<i32>} : memref<448xi32, #tpu.memory_space<vmem>>, vector<16xi32>,
        %and3A_189 = arith.constant 3 : i32
        %and3A_190 = vector.broadcast %and3A_189 : i32 to vector<16xi32>
        %and3A_191 = arith.andi %get3A_183, %and3A_190 : vector<16xi32>
        %mul3A_192 = arith.constant 16 : i32
        %mul3A_193 = arith.muli %scan3A_179, %mul3A_192 : i32
        %swap3A_194 = arith.index_cast %mul3A_193 : i32 to index
        %swap3A_195 = tpu.vector_load %arg15[%swap3A_194] {strides = array<i32>} : memref<448xi32, #tpu.memory_space<vmem>>, vector<16xi32>,
        tpu.vector_store %arg15[%swap3A_194], %and3A_191 {strides = array<i32>} : memref<448xi32, #tpu.memory_space<vmem>>, vector<16xi32>,
        %scan3A_196 = arith.constant 0 : i32
        scf.yield %scan3A_196 : i32
      }
      %scan3A_145 = arith.constant 28 : i32
      %dma_start3A_146 = arith.constant 0 : i32
      %dma_start3A_147 = arith.constant 0 : i32
      %dma_start3A_148 = tpu.memref_slice %arg2[%dma_start3A_146, %dma_start3A_147] : memref<250000x128xf32, #tpu.memory_space<hbm>> -> memref<250000x128xf32, #tpu.memory_space<hbm>>
      tpu.enqueue_indirect_dma source(%dma_start3A_148 : memref<250000x128xf32, #tpu.memory_space<hbm>>) target(%arg16 : memref<448x128xf32, #tpu.memory_space<vmem>>) offsets(%arg13 : memref<448xi32, #tpu.memory_space<vmem>>) semaphore(%arg20 : memref<!tpu.dma_semaphore, #tpu.memory_space<semaphore_mem>>)
      %dma_wait3A_149 = arith.constant 0 : i32
      %dma_wait3A_150 = arith.constant 0 : i32
      %dma_wait3A_151 = tpu.memref_slice %arg2[%dma_wait3A_149, %dma_wait3A_150] : memref<250000x128xf32, #tpu.memory_space<hbm>> -> memref<250000x128xf32, #tpu.memory_space<hbm>>
      tpu.wait_indirect_dma semaphore(%arg20 : memref<!tpu.dma_semaphore, #tpu.memory_space<semaphore_mem>>) src(%dma_wait3A_151 : memref<250000x128xf32, #tpu.memory_space<hbm>>) dst(%arg16 : memref<448x128xf32, #tpu.memory_space<vmem>>)
      %scan3A_152 = arith.constant 0 : i32
      %scan3A_153 = arith.constant 0 : i32
      %scan3A_154 = arith.constant 25 : i32
      %scan3A_155 = arith.addi %scan3A_153, %scan3A_154 : i32
      %scan3A_156 = arith.constant 1 : i32
      %scan3A_157 = scf.for %scan3A_179 = %scan3A_153 to %scan3A_155 step %scan3A_156 iter_args(%scan3A_180 = %scan3A_152) -> (i32)  : i32 {
        %mul3A_181 = arith.constant 16 : i32
        %mul3A_182 = arith.muli %scan3A_179, %mul3A_181 : i32
        %add3A_183 = vector.broadcast %mul3A_182 : i32 to vector<16xi32>
        %add3A_184 = arith.addi %iota3A, %add3A_183 : vector<16xi32>
        %mul3A_185 = arith.constant 32 : i32
        %mul3A_186 = vector.broadcast %mul3A_185 : i32 to vector<16xi32>
        %mul3A_187 = arith.muli %add3A_184, %mul3A_186 : vector<16xi32>
        %mul3A_188 = arith.constant 16 : i32
        %mul3A_189 = arith.muli %scan3A_179, %mul3A_188 : i32
        %get3A = arith.index_cast %mul3A_189 : i32 to index
        %get3A_190 = tpu.vector_load %arg15[%get3A] {strides = array<i32>} : memref<448xi32, #tpu.memory_space<vmem>>, vector<16xi32>,
        %mul3A_191 = arith.constant 32 : i32
        %mul3A_192 = vector.broadcast %mul3A_191 : i32 to vector<16xi32>
        %mul3A_193 = arith.muli %get3A_190, %mul3A_192 : vector<16xi32>
        %add3A_194 = arith.constant 0 : i32
        %add3A_195 = vector.broadcast %add3A_194 : i32 to vector<16xi32>
        %add3A_196 = arith.addi %mul3A_193, %add3A_195 : vector<16xi32>
        %gather3A = tpu.vector_load_idx %arg16[%add3A_184, %add3A_196] : memref<448x128xf32, #tpu.memory_space<vmem>>[vector<16xi32>, vector<16xi32>], vector<16xf32>,
        %add3A_197 = arith.constant 0 : i32
        %add3A_198 = vector.broadcast %add3A_197 : i32 to vector<16xi32>
        %add3A_199 = arith.addi %mul3A_187, %add3A_198 : vector<16xi32>
        tpu.vector_store_idx %arg17[%add3A_199], %gather3A : memref<14336xf32, #tpu.memory_space<vmem>>[vector<16xi32>], vector<16xf32>,
        %add3A_200 = arith.constant 1 : i32
        %add3A_201 = vector.broadcast %add3A_200 : i32 to vector<16xi32>
        %add3A_202 = arith.addi %mul3A_193, %add3A_201 : vector<16xi32>
        %gather3A_203 = tpu.vector_load_idx %arg16[%add3A_184, %add3A_202] : memref<448x128xf32, #tpu.memory_space<vmem>>[vector<16xi32>, vector<16xi32>], vector<16xf32>,
        %add3A_204 = arith.constant 1 : i32
        %add3A_205 = vector.broadcast %add3A_204 : i32 to vector<16xi32>
        %add3A_206 = arith.addi %mul3A_187, %add3A_205 : vector<16xi32>
        tpu.vector_store_idx %arg17[%add3A_206], %gather3A_203 : memref<14336xf32, #tpu.memory_space<vmem>>[vector<16xi32>], vector<16xf32>,
        %add3A_207 = arith.constant 2 : i32
        %add3A_208 = vector.broadcast %add3A_207 : i32 to vector<16xi32>
        %add3A_209 = arith.addi %mul3A_193, %add3A_208 : vector<16xi32>
        %gather3A_210 = tpu.vector_load_idx %arg16[%add3A_184, %add3A_209] : memref<448x128xf32, #tpu.memory_space<vmem>>[vector<16xi32>, vector<16xi32>], vector<16xf32>,
        %add3A_211 = arith.constant 2 : i32
        %add3A_212 = vector.broadcast %add3A_211 : i32 to vector<16xi32>
        %add3A_213 = arith.addi %mul3A_187, %add3A_212 : vector<16xi32>
        tpu.vector_store_idx %arg17[%add3A_213], %gather3A_210 : memref<14336xf32, #tpu.memory_space<vmem>>[vector<16xi32>], vector<16xf32>,
        %add3A_214 = arith.constant 3 : i32
        %add3A_215 = vector.broadcast %add3A_214 : i32 to vector<16xi32>
        %add3A_216 = arith.addi %mul3A_193, %add3A_215 : vector<16xi32>
        %gather3A_217 = tpu.vector_load_idx %arg16[%add3A_184, %add3A_216] : memref<448x128xf32, #tpu.memory_space<vmem>>[vector<16xi32>, vector<16xi32>], vector<16xf32>,
        %add3A_218 = arith.constant 3 : i32
        %add3A_219 = vector.broadcast %add3A_218 : i32 to vector<16xi32>
        %add3A_220 = arith.addi %mul3A_187, %add3A_219 : vector<16xi32>
        tpu.vector_store_idx %arg17[%add3A_220], %gather3A_217 : memref<14336xf32, #tpu.memory_space<vmem>>[vector<16xi32>], vector<16xf32>,
        %add3A_221 = arith.constant 4 : i32
        %add3A_222 = vector.broadcast %add3A_221 : i32 to vector<16xi32>
        %add3A_223 = arith.addi %mul3A_193, %add3A_222 : vector<16xi32>
        %gather3A_224 = tpu.vector_load_idx %arg16[%add3A_184, %add3A_223] : memref<448x128xf32, #tpu.memory_space<vmem>>[vector<16xi32>, vector<16xi32>], vector<16xf32>,
        %add3A_225 = arith.constant 4 : i32
        %add3A_226 = vector.broadcast %add3A_225 : i32 to vector<16xi32>
        %add3A_227 = arith.addi %mul3A_187, %add3A_226 : vector<16xi32>
        tpu.vector_store_idx %arg17[%add3A_227], %gather3A_224 : memref<14336xf32, #tpu.memory_space<vmem>>[vector<16xi32>], vector<16xf32>,
        %add3A_228 = arith.constant 5 : i32
        %add3A_229 = vector.broadcast %add3A_228 : i32 to vector<16xi32>
        %add3A_230 = arith.addi %mul3A_193, %add3A_229 : vector<16xi32>
        %gather3A_231 = tpu.vector_load_idx %arg16[%add3A_184, %add3A_230] : memref<448x128xf32, #tpu.memory_space<vmem>>[vector<16xi32>, vector<16xi32>], vector<16xf32>,
        %add3A_232 = arith.constant 5 : i32
        %add3A_233 = vector.broadcast %add3A_232 : i32 to vector<16xi32>
        %add3A_234 = arith.addi %mul3A_187, %add3A_233 : vector<16xi32>
        tpu.vector_store_idx %arg17[%add3A_234], %gather3A_231 : memref<14336xf32, #tpu.memory_space<vmem>>[vector<16xi32>], vector<16xf32>,
        %add3A_235 = arith.constant 6 : i32
        %add3A_236 = vector.broadcast %add3A_235 : i32 to vector<16xi32>
        %add3A_237 = arith.addi %mul3A_193, %add3A_236 : vector<16xi32>
        %gather3A_238 = tpu.vector_load_idx %arg16[%add3A_184, %add3A_237] : memref<448x128xf32, #tpu.memory_space<vmem>>[vector<16xi32>, vector<16xi32>], vector<16xf32>,
        %add3A_239 = arith.constant 6 : i32
        %add3A_240 = vector.broadcast %add3A_239 : i32 to vector<16xi32>
        %add3A_241 = arith.addi %mul3A_187, %add3A_240 : vector<16xi32>
        tpu.vector_store_idx %arg17[%add3A_241], %gather3A_238 : memref<14336xf32, #tpu.memory_space<vmem>>[vector<16xi32>], vector<16xf32>,
        %add3A_242 = arith.constant 7 : i32
        %add3A_243 = vector.broadcast %add3A_242 : i32 to vector<16xi32>
        %add3A_244 = arith.addi %mul3A_193, %add3A_243 : vector<16xi32>
        %gather3A_245 = tpu.vector_load_idx %arg16[%add3A_184, %add3A_244] : memref<448x128xf32, #tpu.memory_space<vmem>>[vector<16xi32>, vector<16xi32>], vector<16xf32>,
        %add3A_246 = arith.constant 7 : i32
        %add3A_247 = vector.broadcast %add3A_246 : i32 to vector<16xi32>
        %add3A_248 = arith.addi %mul3A_187, %add3A_247 : vector<16xi32>
        tpu.vector_store_idx %arg17[%add3A_248], %gather3A_245 : memref<14336xf32, #tpu.memory_space<vmem>>[vector<16xi32>], vector<16xf32>,
        %add3A_249 = arith.constant 8 : i32
        %add3A_250 = vector.broadcast %add3A_249 : i32 to vector<16xi32>
        %add3A_251 = arith.addi %mul3A_193, %add3A_250 : vector<16xi32>
        %gather3A_252 = tpu.vector_load_idx %arg16[%add3A_184, %add3A_251] : memref<448x128xf32, #tpu.memory_space<vmem>>[vector<16xi32>, vector<16xi32>], vector<16xf32>,
        %add3A_253 = arith.constant 8 : i32
        %add3A_254 = vector.broadcast %add3A_253 : i32 to vector<16xi32>
        %add3A_255 = arith.addi %mul3A_187, %add3A_254 : vector<16xi32>
        tpu.vector_store_idx %arg17[%add3A_255], %gather3A_252 : memref<14336xf32, #tpu.memory_space<vmem>>[vector<16xi32>], vector<16xf32>,
        %add3A_256 = arith.constant 9 : i32
        %add3A_257 = vector.broadcast %add3A_256 : i32 to vector<16xi32>
        %add3A_258 = arith.addi %mul3A_193, %add3A_257 : vector<16xi32>
        %gather3A_259 = tpu.vector_load_idx %arg16[%add3A_184, %add3A_258] : memref<448x128xf32, #tpu.memory_space<vmem>>[vector<16xi32>, vector<16xi32>], vector<16xf32>,
        %add3A_260 = arith.constant 9 : i32
        %add3A_261 = vector.broadcast %add3A_260 : i32 to vector<16xi32>
        %add3A_262 = arith.addi %mul3A_187, %add3A_261 : vector<16xi32>
        tpu.vector_store_idx %arg17[%add3A_262], %gather3A_259 : memref<14336xf32, #tpu.memory_space<vmem>>[vector<16xi32>], vector<16xf32>,
        %add3A_263 = arith.constant 10 : i32
        %add3A_264 = vector.broadcast %add3A_263 : i32 to vector<16xi32>
        %add3A_265 = arith.addi %mul3A_193, %add3A_264 : vector<16xi32>
        %gather3A_266 = tpu.vector_load_idx %arg16[%add3A_184, %add3A_265] : memref<448x128xf32, #tpu.memory_space<vmem>>[vector<16xi32>, vector<16xi32>], vector<16xf32>,
        %add3A_267 = arith.constant 10 : i32
        %add3A_268 = vector.broadcast %add3A_267 : i32 to vector<16xi32>
        %add3A_269 = arith.addi %mul3A_187, %add3A_268 : vector<16xi32>
        tpu.vector_store_idx %arg17[%add3A_269], %gather3A_266 : memref<14336xf32, #tpu.memory_space<vmem>>[vector<16xi32>], vector<16xf32>,
        %add3A_270 = arith.constant 11 : i32
        %add3A_271 = vector.broadcast %add3A_270 : i32 to vector<16xi32>
        %add3A_272 = arith.addi %mul3A_193, %add3A_271 : vector<16xi32>
        %gather3A_273 = tpu.vector_load_idx %arg16[%add3A_184, %add3A_272] : memref<448x128xf32, #tpu.memory_space<vmem>>[vector<16xi32>, vector<16xi32>], vector<16xf32>,
        %add3A_274 = arith.constant 11 : i32
        %add3A_275 = vector.broadcast %add3A_274 : i32 to vector<16xi32>
        %add3A_276 = arith.addi %mul3A_187, %add3A_275 : vector<16xi32>
        tpu.vector_store_idx %arg17[%add3A_276], %gather3A_273 : memref<14336xf32, #tpu.memory_space<vmem>>[vector<16xi32>], vector<16xf32>,
        %add3A_277 = arith.constant 12 : i32
        %add3A_278 = vector.broadcast %add3A_277 : i32 to vector<16xi32>
        %add3A_279 = arith.addi %mul3A_193, %add3A_278 : vector<16xi32>
        %gather3A_280 = tpu.vector_load_idx %arg16[%add3A_184, %add3A_279] : memref<448x128xf32, #tpu.memory_space<vmem>>[vector<16xi32>, vector<16xi32>], vector<16xf32>,
        %add3A_281 = arith.constant 12 : i32
        %add3A_282 = vector.broadcast %add3A_281 : i32 to vector<16xi32>
        %add3A_283 = arith.addi %mul3A_187, %add3A_282 : vector<16xi32>
        tpu.vector_store_idx %arg17[%add3A_283], %gather3A_280 : memref<14336xf32, #tpu.memory_space<vmem>>[vector<16xi32>], vector<16xf32>,
        %add3A_284 = arith.constant 13 : i32
        %add3A_285 = vector.broadcast %add3A_284 : i32 to vector<16xi32>
        %add3A_286 = arith.addi %mul3A_193, %add3A_285 : vector<16xi32>
        %gather3A_287 = tpu.vector_load_idx %arg16[%add3A_184, %add3A_286] : memref<448x128xf32, #tpu.memory_space<vmem>>[vector<16xi32>, vector<16xi32>], vector<16xf32>,
        %add3A_288 = arith.constant 13 : i32
        %add3A_289 = vector.broadcast %add3A_288 : i32 to vector<16xi32>
        %add3A_290 = arith.addi %mul3A_187, %add3A_289 : vector<16xi32>
        tpu.vector_store_idx %arg17[%add3A_290], %gather3A_287 : memref<14336xf32, #tpu.memory_space<vmem>>[vector<16xi32>], vector<16xf32>,
        %add3A_291 = arith.constant 14 : i32
        %add3A_292 = vector.broadcast %add3A_291 : i32 to vector<16xi32>
        %add3A_293 = arith.addi %mul3A_193, %add3A_292 : vector<16xi32>
        %gather3A_294 = tpu.vector_load_idx %arg16[%add3A_184, %add3A_293] : memref<448x128xf32, #tpu.memory_space<vmem>>[vector<16xi32>, vector<16xi32>], vector<16xf32>,
        %add3A_295 = arith.constant 14 : i32
        %add3A_296 = vector.broadcast %add3A_295 : i32 to vector<16xi32>
        %add3A_297 = arith.addi %mul3A_187, %add3A_296 : vector<16xi32>
        tpu.vector_store_idx %arg17[%add3A_297], %gather3A_294 : memref<14336xf32, #tpu.memory_space<vmem>>[vector<16xi32>], vector<16xf32>,
        %add3A_298 = arith.constant 15 : i32
        %add3A_299 = vector.broadcast %add3A_298 : i32 to vector<16xi32>
        %add3A_300 = arith.addi %mul3A_193, %add3A_299 : vector<16xi32>
        %gather3A_301 = tpu.vector_load_idx %arg16[%add3A_184, %add3A_300] : memref<448x128xf32, #tpu.memory_space<vmem>>[vector<16xi32>, vector<16xi32>], vector<16xf32>,
        %add3A_302 = arith.constant 15 : i32
        %add3A_303 = vector.broadcast %add3A_302 : i32 to vector<16xi32>
        %add3A_304 = arith.addi %mul3A_187, %add3A_303 : vector<16xi32>
        tpu.vector_store_idx %arg17[%add3A_304], %gather3A_301 : memref<14336xf32, #tpu.memory_space<vmem>>[vector<16xi32>], vector<16xf32>,
        %add3A_305 = arith.constant 16 : i32
        %add3A_306 = vector.broadcast %add3A_305 : i32 to vector<16xi32>
        %add3A_307 = arith.addi %mul3A_193, %add3A_306 : vector<16xi32>
        %gather3A_308 = tpu.vector_load_idx %arg16[%add3A_184, %add3A_307] : memref<448x128xf32, #tpu.memory_space<vmem>>[vector<16xi32>, vector<16xi32>], vector<16xf32>,
        %add3A_309 = arith.constant 16 : i32
        %add3A_310 = vector.broadcast %add3A_309 : i32 to vector<16xi32>
        %add3A_311 = arith.addi %mul3A_187, %add3A_310 : vector<16xi32>
        tpu.vector_store_idx %arg17[%add3A_311], %gather3A_308 : memref<14336xf32, #tpu.memory_space<vmem>>[vector<16xi32>], vector<16xf32>,
        %add3A_312 = arith.constant 17 : i32
        %add3A_313 = vector.broadcast %add3A_312 : i32 to vector<16xi32>
        %add3A_314 = arith.addi %mul3A_193, %add3A_313 : vector<16xi32>
        %gather3A_315 = tpu.vector_load_idx %arg16[%add3A_184, %add3A_314] : memref<448x128xf32, #tpu.memory_space<vmem>>[vector<16xi32>, vector<16xi32>], vector<16xf32>,
        %add3A_316 = arith.constant 17 : i32
        %add3A_317 = vector.broadcast %add3A_316 : i32 to vector<16xi32>
        %add3A_318 = arith.addi %mul3A_187, %add3A_317 : vector<16xi32>
        tpu.vector_store_idx %arg17[%add3A_318], %gather3A_315 : memref<14336xf32, #tpu.memory_space<vmem>>[vector<16xi32>], vector<16xf32>,
        %add3A_319 = arith.constant 18 : i32
        %add3A_320 = vector.broadcast %add3A_319 : i32 to vector<16xi32>
        %add3A_321 = arith.addi %mul3A_193, %add3A_320 : vector<16xi32>
        %gather3A_322 = tpu.vector_load_idx %arg16[%add3A_184, %add3A_321] : memref<448x128xf32, #tpu.memory_space<vmem>>[vector<16xi32>, vector<16xi32>], vector<16xf32>,
        %add3A_323 = arith.constant 18 : i32
        %add3A_324 = vector.broadcast %add3A_323 : i32 to vector<16xi32>
        %add3A_325 = arith.addi %mul3A_187, %add3A_324 : vector<16xi32>
        tpu.vector_store_idx %arg17[%add3A_325], %gather3A_322 : memref<14336xf32, #tpu.memory_space<vmem>>[vector<16xi32>], vector<16xf32>,
        %add3A_326 = arith.constant 19 : i32
        %add3A_327 = vector.broadcast %add3A_326 : i32 to vector<16xi32>
        %add3A_328 = arith.addi %mul3A_193, %add3A_327 : vector<16xi32>
        %gather3A_329 = tpu.vector_load_idx %arg16[%add3A_184, %add3A_328] : memref<448x128xf32, #tpu.memory_space<vmem>>[vector<16xi32>, vector<16xi32>], vector<16xf32>,
        %add3A_330 = arith.constant 19 : i32
        %add3A_331 = vector.broadcast %add3A_330 : i32 to vector<16xi32>
        %add3A_332 = arith.addi %mul3A_187, %add3A_331 : vector<16xi32>
        tpu.vector_store_idx %arg17[%add3A_332], %gather3A_329 : memref<14336xf32, #tpu.memory_space<vmem>>[vector<16xi32>], vector<16xf32>,
        %add3A_333 = arith.constant 20 : i32
        %add3A_334 = vector.broadcast %add3A_333 : i32 to vector<16xi32>
        %add3A_335 = arith.addi %mul3A_193, %add3A_334 : vector<16xi32>
        %gather3A_336 = tpu.vector_load_idx %arg16[%add3A_184, %add3A_335] : memref<448x128xf32, #tpu.memory_space<vmem>>[vector<16xi32>, vector<16xi32>], vector<16xf32>,
        %add3A_337 = arith.constant 20 : i32
        %add3A_338 = vector.broadcast %add3A_337 : i32 to vector<16xi32>
        %add3A_339 = arith.addi %mul3A_187, %add3A_338 : vector<16xi32>
        tpu.vector_store_idx %arg17[%add3A_339], %gather3A_336 : memref<14336xf32, #tpu.memory_space<vmem>>[vector<16xi32>], vector<16xf32>,
        %add3A_340 = arith.constant 21 : i32
        %add3A_341 = vector.broadcast %add3A_340 : i32 to vector<16xi32>
        %add3A_342 = arith.addi %mul3A_193, %add3A_341 : vector<16xi32>
        %gather3A_343 = tpu.vector_load_idx %arg16[%add3A_184, %add3A_342] : memref<448x128xf32, #tpu.memory_space<vmem>>[vector<16xi32>, vector<16xi32>], vector<16xf32>,
        %add3A_344 = arith.constant 21 : i32
        %add3A_345 = vector.broadcast %add3A_344 : i32 to vector<16xi32>
        %add3A_346 = arith.addi %mul3A_187, %add3A_345 : vector<16xi32>
        tpu.vector_store_idx %arg17[%add3A_346], %gather3A_343 : memref<14336xf32, #tpu.memory_space<vmem>>[vector<16xi32>], vector<16xf32>,
        %add3A_347 = arith.constant 22 : i32
        %add3A_348 = vector.broadcast %add3A_347 : i32 to vector<16xi32>
        %add3A_349 = arith.addi %mul3A_193, %add3A_348 : vector<16xi32>
        %gather3A_350 = tpu.vector_load_idx %arg16[%add3A_184, %add3A_349] : memref<448x128xf32, #tpu.memory_space<vmem>>[vector<16xi32>, vector<16xi32>], vector<16xf32>,
        %add3A_351 = arith.constant 22 : i32
        %add3A_352 = vector.broadcast %add3A_351 : i32 to vector<16xi32>
        %add3A_353 = arith.addi %mul3A_187, %add3A_352 : vector<16xi32>
        tpu.vector_store_idx %arg17[%add3A_353], %gather3A_350 : memref<14336xf32, #tpu.memory_space<vmem>>[vector<16xi32>], vector<16xf32>,
        %add3A_354 = arith.constant 23 : i32
        %add3A_355 = vector.broadcast %add3A_354 : i32 to vector<16xi32>
        %add3A_356 = arith.addi %mul3A_193, %add3A_355 : vector<16xi32>
        %gather3A_357 = tpu.vector_load_idx %arg16[%add3A_184, %add3A_356] : memref<448x128xf32, #tpu.memory_space<vmem>>[vector<16xi32>, vector<16xi32>], vector<16xf32>,
        %add3A_358 = arith.constant 23 : i32
        %add3A_359 = vector.broadcast %add3A_358 : i32 to vector<16xi32>
        %add3A_360 = arith.addi %mul3A_187, %add3A_359 : vector<16xi32>
        tpu.vector_store_idx %arg17[%add3A_360], %gather3A_357 : memref<14336xf32, #tpu.memory_space<vmem>>[vector<16xi32>], vector<16xf32>,
        %add3A_361 = arith.constant 24 : i32
        %add3A_362 = vector.broadcast %add3A_361 : i32 to vector<16xi32>
        %add3A_363 = arith.addi %mul3A_193, %add3A_362 : vector<16xi32>
        %gather3A_364 = tpu.vector_load_idx %arg16[%add3A_184, %add3A_363] : memref<448x128xf32, #tpu.memory_space<vmem>>[vector<16xi32>, vector<16xi32>], vector<16xf32>,
        %add3A_365 = arith.constant 24 : i32
        %add3A_366 = vector.broadcast %add3A_365 : i32 to vector<16xi32>
        %add3A_367 = arith.addi %mul3A_187, %add3A_366 : vector<16xi32>
        tpu.vector_store_idx %arg17[%add3A_367], %gather3A_364 : memref<14336xf32, #tpu.memory_space<vmem>>[vector<16xi32>], vector<16xf32>,
        %add3A_368 = arith.constant 25 : i32
        %add3A_369 = vector.broadcast %add3A_368 : i32 to vector<16xi32>
        %add3A_370 = arith.addi %mul3A_193, %add3A_369 : vector<16xi32>
        %gather3A_371 = tpu.vector_load_idx %arg16[%add3A_184, %add3A_370] : memref<448x128xf32, #tpu.memory_space<vmem>>[vector<16xi32>, vector<16xi32>], vector<16xf32>,
        %add3A_372 = arith.constant 25 : i32
        %add3A_373 = vector.broadcast %add3A_372 : i32 to vector<16xi32>
        %add3A_374 = arith.addi %mul3A_187, %add3A_373 : vector<16xi32>
        tpu.vector_store_idx %arg17[%add3A_374], %gather3A_371 : memref<14336xf32, #tpu.memory_space<vmem>>[vector<16xi32>], vector<16xf32>,
        %add3A_375 = arith.constant 26 : i32
        %add3A_376 = vector.broadcast %add3A_375 : i32 to vector<16xi32>
        %add3A_377 = arith.addi %mul3A_193, %add3A_376 : vector<16xi32>
        %gather3A_378 = tpu.vector_load_idx %arg16[%add3A_184, %add3A_377] : memref<448x128xf32, #tpu.memory_space<vmem>>[vector<16xi32>, vector<16xi32>], vector<16xf32>,
        %add3A_379 = arith.constant 26 : i32
        %add3A_380 = vector.broadcast %add3A_379 : i32 to vector<16xi32>
        %add3A_381 = arith.addi %mul3A_187, %add3A_380 : vector<16xi32>
        tpu.vector_store_idx %arg17[%add3A_381], %gather3A_378 : memref<14336xf32, #tpu.memory_space<vmem>>[vector<16xi32>], vector<16xf32>,
        %add3A_382 = arith.constant 27 : i32
        %add3A_383 = vector.broadcast %add3A_382 : i32 to vector<16xi32>
        %add3A_384 = arith.addi %mul3A_193, %add3A_383 : vector<16xi32>
        %gather3A_385 = tpu.vector_load_idx %arg16[%add3A_184, %add3A_384] : memref<448x128xf32, #tpu.memory_space<vmem>>[vector<16xi32>, vector<16xi32>], vector<16xf32>,
        %add3A_386 = arith.constant 27 : i32
        %add3A_387 = vector.broadcast %add3A_386 : i32 to vector<16xi32>
        %add3A_388 = arith.addi %mul3A_187, %add3A_387 : vector<16xi32>
        tpu.vector_store_idx %arg17[%add3A_388], %gather3A_385 : memref<14336xf32, #tpu.memory_space<vmem>>[vector<16xi32>], vector<16xf32>,
        %add3A_389 = arith.constant 28 : i32
        %add3A_390 = vector.broadcast %add3A_389 : i32 to vector<16xi32>
        %add3A_391 = arith.addi %mul3A_193, %add3A_390 : vector<16xi32>
        %gather3A_392 = tpu.vector_load_idx %arg16[%add3A_184, %add3A_391] : memref<448x128xf32, #tpu.memory_space<vmem>>[vector<16xi32>, vector<16xi32>], vector<16xf32>,
        %add3A_393 = arith.constant 28 : i32
        %add3A_394 = vector.broadcast %add3A_393 : i32 to vector<16xi32>
        %add3A_395 = arith.addi %mul3A_187, %add3A_394 : vector<16xi32>
        tpu.vector_store_idx %arg17[%add3A_395], %gather3A_392 : memref<14336xf32, #tpu.memory_space<vmem>>[vector<16xi32>], vector<16xf32>,
        %add3A_396 = arith.constant 29 : i32
        %add3A_397 = vector.broadcast %add3A_396 : i32 to vector<16xi32>
        %add3A_398 = arith.addi %mul3A_193, %add3A_397 : vector<16xi32>
        %gather3A_399 = tpu.vector_load_idx %arg16[%add3A_184, %add3A_398] : memref<448x128xf32, #tpu.memory_space<vmem>>[vector<16xi32>, vector<16xi32>], vector<16xf32>,
        %add3A_400 = arith.constant 29 : i32
        %add3A_401 = vector.broadcast %add3A_400 : i32 to vector<16xi32>
        %add3A_402 = arith.addi %mul3A_187, %add3A_401 : vector<16xi32>
        tpu.vector_store_idx %arg17[%add3A_402], %gather3A_399 : memref<14336xf32, #tpu.memory_space<vmem>>[vector<16xi32>], vector<16xf32>,
        %add3A_403 = arith.constant 30 : i32
        %add3A_404 = vector.broadcast %add3A_403 : i32 to vector<16xi32>
        %add3A_405 = arith.addi %mul3A_193, %add3A_404 : vector<16xi32>
        %gather3A_406 = tpu.vector_load_idx %arg16[%add3A_184, %add3A_405] : memref<448x128xf32, #tpu.memory_space<vmem>>[vector<16xi32>, vector<16xi32>], vector<16xf32>,
        %add3A_407 = arith.constant 30 : i32
        %add3A_408 = vector.broadcast %add3A_407 : i32 to vector<16xi32>
        %add3A_409 = arith.addi %mul3A_187, %add3A_408 : vector<16xi32>
        tpu.vector_store_idx %arg17[%add3A_409], %gather3A_406 : memref<14336xf32, #tpu.memory_space<vmem>>[vector<16xi32>], vector<16xf32>,
        %add3A_410 = arith.constant 31 : i32
        %add3A_411 = vector.broadcast %add3A_410 : i32 to vector<16xi32>
        %add3A_412 = arith.addi %mul3A_193, %add3A_411 : vector<16xi32>
        %gather3A_413 = tpu.vector_load_idx %arg16[%add3A_184, %add3A_412] : memref<448x128xf32, #tpu.memory_space<vmem>>[vector<16xi32>, vector<16xi32>], vector<16xf32>,
        %add3A_414 = arith.constant 31 : i32
        %add3A_415 = vector.broadcast %add3A_414 : i32 to vector<16xi32>
        %add3A_416 = arith.addi %mul3A_187, %add3A_415 : vector<16xi32>
        tpu.vector_store_idx %arg17[%add3A_416], %gather3A_413 : memref<14336xf32, #tpu.memory_space<vmem>>[vector<16xi32>], vector<16xf32>,
        %scan3A_417 = arith.constant 0 : i32
        scf.yield %scan3A_417 : i32
      }
      %scan3A_158 = arith.constant 25 : i32
      %scan3A_159 = arith.constant 0 : i32
      %scan3A_160 = arith.constant 0 : i32
      %scan3A_161 = arith.constant 25 : i32
      %scan3A_162 = arith.addi %scan3A_160, %scan3A_161 : i32
      %scan3A_163 = arith.constant 1 : i32
      %scan3A_164 = scf.for %scan3A_179 = %scan3A_160 to %scan3A_162 step %scan3A_163 iter_args(%scan3A_180 = %scan3A_159) -> (i32)  : i32 {
        %mul3A_181 = arith.constant 16 : i32
        %mul3A_182 = arith.muli %scan3A_179, %mul3A_181 : i32
        %get3A = arith.index_cast %mul3A_182 : i32 to index
        %get3A_183 = tpu.vector_load %arg12[%get3A] {strides = array<i32>} : memref<400xi32, #tpu.memory_space<vmem>>, vector<16xi32>,
        %lt3A = arith.constant 0 : i32
        %lt3A_184 = vector.broadcast %lt3A : i32 to vector<16xi32>
        %lt3A_185 = arith.cmpi slt, %get3A_183, %lt3A_184 : vector<16xi32>
        %mul3A_186 = arith.constant 16 : i32
        %mul3A_187 = arith.muli %scan3A_179, %mul3A_186 : i32
        %add3A_188 = vector.broadcast %mul3A_187 : i32 to vector<16xi32>
        %add3A_189 = arith.addi %iota3A, %add3A_188 : vector<16xi32>
        %mul3A_190 = arith.constant 32 : i32
        %mul3A_191 = vector.broadcast %mul3A_190 : i32 to vector<16xi32>
        %mul3A_192 = arith.muli %add3A_189, %mul3A_191 : vector<16xi32>
        %jit3A_193 = arith.constant 14304 : i32
        %broadcast_in_dim3A_194 = vector.broadcast %jit3A_193 : i32 to vector<16xi32>
        %select_n3A_195 = arith.select %lt3A_185, %mul3A_192, %broadcast_in_dim3A_194 : vector<16xi1>, vector<16xi32>
        %add3A_196 = arith.constant 0 : i32
        %add3A_197 = vector.broadcast %add3A_196 : i32 to vector<16xi32>
        %add3A_198 = arith.addi %select_n3A_195, %add3A_197 : vector<16xi32>
        tpu.vector_store_idx %arg17[%add3A_198], %broadcast_in_dim3A_3 : memref<14336xf32, #tpu.memory_space<vmem>>[vector<16xi32>], vector<16xf32>,
        %add3A_199 = arith.constant 1 : i32
        %add3A_200 = vector.broadcast %add3A_199 : i32 to vector<16xi32>
        %add3A_201 = arith.addi %select_n3A_195, %add3A_200 : vector<16xi32>
        tpu.vector_store_idx %arg17[%add3A_201], %broadcast_in_dim3A_3 : memref<14336xf32, #tpu.memory_space<vmem>>[vector<16xi32>], vector<16xf32>,
        %add3A_202 = arith.constant 2 : i32
        %add3A_203 = vector.broadcast %add3A_202 : i32 to vector<16xi32>
        %add3A_204 = arith.addi %select_n3A_195, %add3A_203 : vector<16xi32>
        tpu.vector_store_idx %arg17[%add3A_204], %broadcast_in_dim3A_3 : memref<14336xf32, #tpu.memory_space<vmem>>[vector<16xi32>], vector<16xf32>,
        %add3A_205 = arith.constant 3 : i32
        %add3A_206 = vector.broadcast %add3A_205 : i32 to vector<16xi32>
        %add3A_207 = arith.addi %select_n3A_195, %add3A_206 : vector<16xi32>
        tpu.vector_store_idx %arg17[%add3A_207], %broadcast_in_dim3A_3 : memref<14336xf32, #tpu.memory_space<vmem>>[vector<16xi32>], vector<16xf32>,
        %add3A_208 = arith.constant 4 : i32
        %add3A_209 = vector.broadcast %add3A_208 : i32 to vector<16xi32>
        %add3A_210 = arith.addi %select_n3A_195, %add3A_209 : vector<16xi32>
        tpu.vector_store_idx %arg17[%add3A_210], %broadcast_in_dim3A_3 : memref<14336xf32, #tpu.memory_space<vmem>>[vector<16xi32>], vector<16xf32>,
        %add3A_211 = arith.constant 5 : i32
        %add3A_212 = vector.broadcast %add3A_211 : i32 to vector<16xi32>
        %add3A_213 = arith.addi %select_n3A_195, %add3A_212 : vector<16xi32>
        tpu.vector_store_idx %arg17[%add3A_213], %broadcast_in_dim3A_3 : memref<14336xf32, #tpu.memory_space<vmem>>[vector<16xi32>], vector<16xf32>,
        %add3A_214 = arith.constant 6 : i32
        %add3A_215 = vector.broadcast %add3A_214 : i32 to vector<16xi32>
        %add3A_216 = arith.addi %select_n3A_195, %add3A_215 : vector<16xi32>
        tpu.vector_store_idx %arg17[%add3A_216], %broadcast_in_dim3A_3 : memref<14336xf32, #tpu.memory_space<vmem>>[vector<16xi32>], vector<16xf32>,
        %add3A_217 = arith.constant 7 : i32
        %add3A_218 = vector.broadcast %add3A_217 : i32 to vector<16xi32>
        %add3A_219 = arith.addi %select_n3A_195, %add3A_218 : vector<16xi32>
        tpu.vector_store_idx %arg17[%add3A_219], %broadcast_in_dim3A_3 : memref<14336xf32, #tpu.memory_space<vmem>>[vector<16xi32>], vector<16xf32>,
        %add3A_220 = arith.constant 8 : i32
        %add3A_221 = vector.broadcast %add3A_220 : i32 to vector<16xi32>
        %add3A_222 = arith.addi %select_n3A_195, %add3A_221 : vector<16xi32>
        tpu.vector_store_idx %arg17[%add3A_222], %broadcast_in_dim3A_3 : memref<14336xf32, #tpu.memory_space<vmem>>[vector<16xi32>], vector<16xf32>,
        %add3A_223 = arith.constant 9 : i32
        %add3A_224 = vector.broadcast %add3A_223 : i32 to vector<16xi32>
        %add3A_225 = arith.addi %select_n3A_195, %add3A_224 : vector<16xi32>
        tpu.vector_store_idx %arg17[%add3A_225], %broadcast_in_dim3A_3 : memref<14336xf32, #tpu.memory_space<vmem>>[vector<16xi32>], vector<16xf32>,
        %add3A_226 = arith.constant 10 : i32
        %add3A_227 = vector.broadcast %add3A_226 : i32 to vector<16xi32>
        %add3A_228 = arith.addi %select_n3A_195, %add3A_227 : vector<16xi32>
        tpu.vector_store_idx %arg17[%add3A_228], %broadcast_in_dim3A_3 : memref<14336xf32, #tpu.memory_space<vmem>>[vector<16xi32>], vector<16xf32>,
        %add3A_229 = arith.constant 11 : i32
        %add3A_230 = vector.broadcast %add3A_229 : i32 to vector<16xi32>
        %add3A_231 = arith.addi %select_n3A_195, %add3A_230 : vector<16xi32>
        tpu.vector_store_idx %arg17[%add3A_231], %broadcast_in_dim3A_3 : memref<14336xf32, #tpu.memory_space<vmem>>[vector<16xi32>], vector<16xf32>,
        %add3A_232 = arith.constant 12 : i32
        %add3A_233 = vector.broadcast %add3A_232 : i32 to vector<16xi32>
        %add3A_234 = arith.addi %select_n3A_195, %add3A_233 : vector<16xi32>
        tpu.vector_store_idx %arg17[%add3A_234], %broadcast_in_dim3A_3 : memref<14336xf32, #tpu.memory_space<vmem>>[vector<16xi32>], vector<16xf32>,
        %add3A_235 = arith.constant 13 : i32
        %add3A_236 = vector.broadcast %add3A_235 : i32 to vector<16xi32>
        %add3A_237 = arith.addi %select_n3A_195, %add3A_236 : vector<16xi32>
        tpu.vector_store_idx %arg17[%add3A_237], %broadcast_in_dim3A_3 : memref<14336xf32, #tpu.memory_space<vmem>>[vector<16xi32>], vector<16xf32>,
        %add3A_238 = arith.constant 14 : i32
        %add3A_239 = vector.broadcast %add3A_238 : i32 to vector<16xi32>
        %add3A_240 = arith.addi %select_n3A_195, %add3A_239 : vector<16xi32>
        tpu.vector_store_idx %arg17[%add3A_240], %broadcast_in_dim3A_3 : memref<14336xf32, #tpu.memory_space<vmem>>[vector<16xi32>], vector<16xf32>,
        %add3A_241 = arith.constant 15 : i32
        %add3A_242 = vector.broadcast %add3A_241 : i32 to vector<16xi32>
        %add3A_243 = arith.addi %select_n3A_195, %add3A_242 : vector<16xi32>
        tpu.vector_store_idx %arg17[%add3A_243], %broadcast_in_dim3A_3 : memref<14336xf32, #tpu.memory_space<vmem>>[vector<16xi32>], vector<16xf32>,
        %add3A_244 = arith.constant 16 : i32
        %add3A_245 = vector.broadcast %add3A_244 : i32 to vector<16xi32>
        %add3A_246 = arith.addi %select_n3A_195, %add3A_245 : vector<16xi32>
        tpu.vector_store_idx %arg17[%add3A_246], %broadcast_in_dim3A_3 : memref<14336xf32, #tpu.memory_space<vmem>>[vector<16xi32>], vector<16xf32>,
        %add3A_247 = arith.constant 17 : i32
        %add3A_248 = vector.broadcast %add3A_247 : i32 to vector<16xi32>
        %add3A_249 = arith.addi %select_n3A_195, %add3A_248 : vector<16xi32>
        tpu.vector_store_idx %arg17[%add3A_249], %broadcast_in_dim3A_3 : memref<14336xf32, #tpu.memory_space<vmem>>[vector<16xi32>], vector<16xf32>,
        %add3A_250 = arith.constant 18 : i32
        %add3A_251 = vector.broadcast %add3A_250 : i32 to vector<16xi32>
        %add3A_252 = arith.addi %select_n3A_195, %add3A_251 : vector<16xi32>
        tpu.vector_store_idx %arg17[%add3A_252], %broadcast_in_dim3A_3 : memref<14336xf32, #tpu.memory_space<vmem>>[vector<16xi32>], vector<16xf32>,
        %add3A_253 = arith.constant 19 : i32
        %add3A_254 = vector.broadcast %add3A_253 : i32 to vector<16xi32>
        %add3A_255 = arith.addi %select_n3A_195, %add3A_254 : vector<16xi32>
        tpu.vector_store_idx %arg17[%add3A_255], %broadcast_in_dim3A_3 : memref<14336xf32, #tpu.memory_space<vmem>>[vector<16xi32>], vector<16xf32>,
        %add3A_256 = arith.constant 20 : i32
        %add3A_257 = vector.broadcast %add3A_256 : i32 to vector<16xi32>
        %add3A_258 = arith.addi %select_n3A_195, %add3A_257 : vector<16xi32>
        tpu.vector_store_idx %arg17[%add3A_258], %broadcast_in_dim3A_3 : memref<14336xf32, #tpu.memory_space<vmem>>[vector<16xi32>], vector<16xf32>,
        %add3A_259 = arith.constant 21 : i32
        %add3A_260 = vector.broadcast %add3A_259 : i32 to vector<16xi32>
        %add3A_261 = arith.addi %select_n3A_195, %add3A_260 : vector<16xi32>
        tpu.vector_store_idx %arg17[%add3A_261], %broadcast_in_dim3A_3 : memref<14336xf32, #tpu.memory_space<vmem>>[vector<16xi32>], vector<16xf32>,
        %add3A_262 = arith.constant 22 : i32
        %add3A_263 = vector.broadcast %add3A_262 : i32 to vector<16xi32>
        %add3A_264 = arith.addi %select_n3A_195, %add3A_263 : vector<16xi32>
        tpu.vector_store_idx %arg17[%add3A_264], %broadcast_in_dim3A_3 : memref<14336xf32, #tpu.memory_space<vmem>>[vector<16xi32>], vector<16xf32>,
        %add3A_265 = arith.constant 23 : i32
        %add3A_266 = vector.broadcast %add3A_265 : i32 to vector<16xi32>
        %add3A_267 = arith.addi %select_n3A_195, %add3A_266 : vector<16xi32>
        tpu.vector_store_idx %arg17[%add3A_267], %broadcast_in_dim3A_3 : memref<14336xf32, #tpu.memory_space<vmem>>[vector<16xi32>], vector<16xf32>,
        %add3A_268 = arith.constant 24 : i32
        %add3A_269 = vector.broadcast %add3A_268 : i32 to vector<16xi32>
        %add3A_270 = arith.addi %select_n3A_195, %add3A_269 : vector<16xi32>
        tpu.vector_store_idx %arg17[%add3A_270], %broadcast_in_dim3A_3 : memref<14336xf32, #tpu.memory_space<vmem>>[vector<16xi32>], vector<16xf32>,
        %add3A_271 = arith.constant 25 : i32
        %add3A_272 = vector.broadcast %add3A_271 : i32 to vector<16xi32>
        %add3A_273 = arith.addi %select_n3A_195, %add3A_272 : vector<16xi32>
        tpu.vector_store_idx %arg17[%add3A_273], %broadcast_in_dim3A_3 : memref<14336xf32, #tpu.memory_space<vmem>>[vector<16xi32>], vector<16xf32>,
        %add3A_274 = arith.constant 26 : i32
        %add3A_275 = vector.broadcast %add3A_274 : i32 to vector<16xi32>
        %add3A_276 = arith.addi %select_n3A_195, %add3A_275 : vector<16xi32>
        tpu.vector_store_idx %arg17[%add3A_276], %broadcast_in_dim3A_3 : memref<14336xf32, #tpu.memory_space<vmem>>[vector<16xi32>], vector<16xf32>,
        %add3A_277 = arith.constant 27 : i32
        %add3A_278 = vector.broadcast %add3A_277 : i32 to vector<16xi32>
        %add3A_279 = arith.addi %select_n3A_195, %add3A_278 : vector<16xi32>
        tpu.vector_store_idx %arg17[%add3A_279], %broadcast_in_dim3A_3 : memref<14336xf32, #tpu.memory_space<vmem>>[vector<16xi32>], vector<16xf32>,
        %add3A_280 = arith.constant 28 : i32
        %add3A_281 = vector.broadcast %add3A_280 : i32 to vector<16xi32>
        %add3A_282 = arith.addi %select_n3A_195, %add3A_281 : vector<16xi32>
        tpu.vector_store_idx %arg17[%add3A_282], %broadcast_in_dim3A_3 : memref<14336xf32, #tpu.memory_space<vmem>>[vector<16xi32>], vector<16xf32>,
        %add3A_283 = arith.constant 29 : i32
        %add3A_284 = vector.broadcast %add3A_283 : i32 to vector<16xi32>
        %add3A_285 = arith.addi %select_n3A_195, %add3A_284 : vector<16xi32>
        tpu.vector_store_idx %arg17[%add3A_285], %broadcast_in_dim3A_3 : memref<14336xf32, #tpu.memory_space<vmem>>[vector<16xi32>], vector<16xf32>,
        %add3A_286 = arith.constant 30 : i32
        %add3A_287 = vector.broadcast %add3A_286 : i32 to vector<16xi32>
        %add3A_288 = arith.addi %select_n3A_195, %add3A_287 : vector<16xi32>
        tpu.vector_store_idx %arg17[%add3A_288], %broadcast_in_dim3A_3 : memref<14336xf32, #tpu.memory_space<vmem>>[vector<16xi32>], vector<16xf32>,
        %add3A_289 = arith.constant 31 : i32
        %add3A_290 = vector.broadcast %add3A_289 : i32 to vector<16xi32>
        %add3A_291 = arith.addi %select_n3A_195, %add3A_290 : vector<16xi32>
        tpu.vector_store_idx %arg17[%add3A_291], %broadcast_in_dim3A_3 : memref<14336xf32, #tpu.memory_space<vmem>>[vector<16xi32>], vector<16xf32>,
        %scan3A_292 = arith.constant 0 : i32
        scf.yield %scan3A_292 : i32
      }
      %scan3A_165 = arith.constant 25 : i32
      %dma_start3A_166 = arith.constant 0 : i32
      %dma_start3A_167 = tpu.memref_slice %arg17[%dma_start3A_166] : memref<14336xf32, #tpu.memory_space<vmem>> -> memref<12800xf32, #tpu.memory_space<vmem>>
      %dma_start3A_168 = tpu.memref_slice %arg5[%mul3A_116] : memref<32000000xf32, #tpu.memory_space<hbm>> -> memref<12800xf32, #tpu.memory_space<hbm>>
      %dma_start3A_169 = tpu.memref_slice %arg5[%mul3A_116] : memref<32000000xf32, #tpu.memory_space<hbm>> -> memref<12800xf32, #tpu.memory_space<hbm>>
      %dma_start3A_170 = arith.constant 0 : i32
      %dma_start3A_171 = tpu.memref_slice %arg17[%dma_start3A_170] : memref<14336xf32, #tpu.memory_space<vmem>> -> memref<12800xf32, #tpu.memory_space<vmem>>
      tpu.enqueue_dma source(%dma_start3A_171 : memref<12800xf32, #tpu.memory_space<vmem>>) target(%dma_start3A_169 : memref<12800xf32, #tpu.memory_space<hbm>>) target_semaphore(%arg22 : memref<!tpu.dma_semaphore, #tpu.memory_space<semaphore_mem>>)
      %dma_wait3A_172 = arith.constant 0 : i32
      %dma_wait3A_173 = tpu.memref_slice %arg17[%dma_wait3A_172] : memref<14336xf32, #tpu.memory_space<vmem>> -> memref<12800xf32, #tpu.memory_space<vmem>>
      %dma_wait3A_174 = tpu.memref_slice %arg5[%mul3A_116] : memref<32000000xf32, #tpu.memory_space<hbm>> -> memref<12800xf32, #tpu.memory_space<hbm>>
      %dma_wait3A_175 = tpu.memref_slice %arg5[%mul3A_116] : memref<32000000xf32, #tpu.memory_space<hbm>> -> memref<12800xf32, #tpu.memory_space<hbm>>
      %dma_wait3A_176 = arith.constant 0 : i32
      %dma_wait3A_177 = tpu.memref_slice %arg17[%dma_wait3A_176] : memref<14336xf32, #tpu.memory_space<vmem>> -> memref<12800xf32, #tpu.memory_space<vmem>>
      tpu.wait_dma2 semaphore(%arg22 : memref<!tpu.dma_semaphore, #tpu.memory_space<semaphore_mem>>) src(%dma_wait3A_177 : memref<12800xf32, #tpu.memory_space<vmem>>) dst(%dma_wait3A_175 : memref<12800xf32, #tpu.memory_space<hbm>>)
      %while3A_178 = arith.constant 0 : i32
      scf.yield %while3A_178 : i32
    }
    %while3A_105 = arith.constant 1 : i32
    %while3A_106 = scf.for %while3A_107 = %while3A_102 to %while3A_98 step %while3A_105 iter_args(%while3A_108 = %while3A_104) -> (i32)  : i32 {
      %mul3A_109 = arith.constant 16 : i32
      %mul3A_110 = arith.muli %mul3A_109, %while3A_107 : i32
      %add3A_111 = arith.addi %arg1, %mul3A_110 : i32
      %mul3A_112 = arith.constant 400 : i32
      %mul3A_113 = arith.muli %add3A_111, %mul3A_112 : i32
      %add3A_114 = arith.addi %mul3A_0, %mul3A_113 : i32
      %mul3A_115 = arith.constant 32 : i32
      %mul3A_116 = arith.muli %add3A_114, %mul3A_115 : i32
      %dma_start3A_117 = tpu.memref_slice %arg6[%mul3A_113] : memref<504096xi32, #tpu.memory_space<vmem_shared>> -> memref<400xi32, #tpu.memory_space<vmem_shared>>
      %dma_start3A_118 = tpu.memref_slice %arg6[%mul3A_113] : memref<504096xi32, #tpu.memory_space<vmem_shared>> -> memref<400xi32, #tpu.memory_space<vmem_shared>>
      tpu.enqueue_dma source(%dma_start3A_118 : memref<400xi32, #tpu.memory_space<vmem_shared>>) target(%arg12 : memref<400xi32, #tpu.memory_space<vmem>>) target_semaphore(%arg22 : memref<!tpu.dma_semaphore, #tpu.memory_space<semaphore_mem>>)
      %dma_wait3A_119 = tpu.memref_slice %arg6[%mul3A_113] : memref<504096xi32, #tpu.memory_space<vmem_shared>> -> memref<400xi32, #tpu.memory_space<vmem_shared>>
      %dma_wait3A_120 = tpu.memref_slice %arg6[%mul3A_113] : memref<504096xi32, #tpu.memory_space<vmem_shared>> -> memref<400xi32, #tpu.memory_space<vmem_shared>>
      tpu.wait_dma2 semaphore(%arg22 : memref<!tpu.dma_semaphore, #tpu.memory_space<semaphore_mem>>) src(%dma_wait3A_120 : memref<400xi32, #tpu.memory_space<vmem_shared>>) dst(%arg12 : memref<400xi32, #tpu.memory_space<vmem>>)
      %scan3A_121 = arith.constant 0 : i32
      %scan3A_122 = arith.constant 0 : i32
      %scan3A_123 = arith.constant 25 : i32
      %scan3A_124 = arith.addi %scan3A_122, %scan3A_123 : i32
      %scan3A_125 = arith.constant 1 : i32
      %scan3A_126 = scf.for %scan3A_179 = %scan3A_122 to %scan3A_124 step %scan3A_125 iter_args(%scan3A_180 = %scan3A_121) -> (i32)  : i32 {
        %mul3A_181 = arith.constant 16 : i32
        %mul3A_182 = arith.muli %scan3A_179, %mul3A_181 : i32
        %get3A = arith.index_cast %mul3A_182 : i32 to index
        %get3A_183 = tpu.vector_load %arg12[%get3A] {strides = array<i32>} : memref<400xi32, #tpu.memory_space<vmem>>, vector<16xi32>,
        %add3A_184 = vector.broadcast %mul3A_113 : i32 to vector<16xi32>
        %add3A_185 = arith.addi %add3A_184, %iota3A : vector<16xi32>
        %mul3A_186 = arith.constant 16 : i32
        %mul3A_187 = arith.muli %scan3A_179, %mul3A_186 : i32
        %add3A_188 = vector.broadcast %mul3A_187 : i32 to vector<16xi32>
        %add3A_189 = arith.addi %add3A_185, %add3A_188 : vector<16xi32>
        %and3A_190 = arith.constant 524287 : i32
        %and3A_191 = vector.broadcast %and3A_190 : i32 to vector<16xi32>
        %and3A_192 = arith.andi %add3A_189, %and3A_191 : vector<16xi32>
        %lt3A = arith.constant 0 : i32
        %lt3A_193 = vector.broadcast %lt3A : i32 to vector<16xi32>
        %lt3A_194 = arith.cmpi slt, %get3A_183, %lt3A_193 : vector<16xi32>
        %select_n3A_195 = arith.select %lt3A_194, %and3A_192, %get3A_183 : vector<16xi1>, vector<16xi32>
        %mul3A_196 = arith.constant 16 : i32
        %mul3A_197 = arith.muli %scan3A_179, %mul3A_196 : i32
        %swap3A = arith.index_cast %mul3A_197 : i32 to index
        %swap3A_198 = tpu.vector_load %arg13[%swap3A] {strides = array<i32>} : memref<448xi32, #tpu.memory_space<vmem>>, vector<16xi32>,
        tpu.vector_store %arg13[%swap3A], %select_n3A_195 {strides = array<i32>} : memref<448xi32, #tpu.memory_space<vmem>>, vector<16xi32>,
        %scan3A_199 = arith.constant 0 : i32
        scf.yield %scan3A_199 : i32
      }
      %scan3A_127 = arith.constant 25 : i32
      %scan3A_128 = arith.constant 0 : i32
      %scan3A_129 = arith.constant 25 : i32
      %scan3A_130 = arith.constant 3 : i32
      %scan3A_131 = arith.addi %scan3A_129, %scan3A_130 : i32
      %scan3A_132 = arith.constant 1 : i32
      %scan3A_133 = scf.for %scan3A_179 = %scan3A_129 to %scan3A_131 step %scan3A_132 iter_args(%scan3A_180 = %scan3A_128) -> (i32)  : i32 {
        %add3A_181 = vector.broadcast %mul3A_113 : i32 to vector<16xi32>
        %add3A_182 = arith.addi %add3A_181, %iota3A : vector<16xi32>
        %mul3A_183 = arith.constant 16 : i32
        %mul3A_184 = arith.muli %scan3A_179, %mul3A_183 : i32
        %add3A_185 = vector.broadcast %mul3A_184 : i32 to vector<16xi32>
        %add3A_186 = arith.addi %add3A_182, %add3A_185 : vector<16xi32>
        %and3A_187 = arith.constant 524287 : i32
        %and3A_188 = vector.broadcast %and3A_187 : i32 to vector<16xi32>
        %and3A_189 = arith.andi %add3A_186, %and3A_188 : vector<16xi32>
        %mul3A_190 = arith.constant 16 : i32
        %mul3A_191 = arith.muli %scan3A_179, %mul3A_190 : i32
        %swap3A = arith.index_cast %mul3A_191 : i32 to index
        %swap3A_192 = tpu.vector_load %arg13[%swap3A] {strides = array<i32>} : memref<448xi32, #tpu.memory_space<vmem>>, vector<16xi32>,
        tpu.vector_store %arg13[%swap3A], %and3A_189 {strides = array<i32>} : memref<448xi32, #tpu.memory_space<vmem>>, vector<16xi32>,
        %scan3A_193 = arith.constant 0 : i32
        scf.yield %scan3A_193 : i32
      }
      %scan3A_134 = arith.constant 3 : i32
      %dma_start3A_135 = arith.constant 0 : i32
      %dma_start3A_136 = tpu.memref_slice %arg3[%dma_start3A_135] : memref<1000000xi32, #tpu.memory_space<hbm>> -> memref<1000000xi32, #tpu.memory_space<hbm>>
      tpu.enqueue_indirect_dma source(%dma_start3A_136 : memref<1000000xi32, #tpu.memory_space<hbm>>) target(%arg14 : memref<448xi32, #tpu.memory_space<vmem>>) offsets(%arg13 : memref<448xi32, #tpu.memory_space<vmem>>) semaphore(%arg20 : memref<!tpu.dma_semaphore, #tpu.memory_space<semaphore_mem>>)
      %dma_wait3A_137 = arith.constant 0 : i32
      %dma_wait3A_138 = tpu.memref_slice %arg3[%dma_wait3A_137] : memref<1000000xi32, #tpu.memory_space<hbm>> -> memref<1000000xi32, #tpu.memory_space<hbm>>
      tpu.wait_indirect_dma semaphore(%arg20 : memref<!tpu.dma_semaphore, #tpu.memory_space<semaphore_mem>>) src(%dma_wait3A_138 : memref<1000000xi32, #tpu.memory_space<hbm>>) dst(%arg14 : memref<448xi32, #tpu.memory_space<vmem>>)
      %scan3A_139 = arith.constant 0 : i32
      %scan3A_140 = arith.constant 0 : i32
      %scan3A_141 = arith.constant 28 : i32
      %scan3A_142 = arith.addi %scan3A_140, %scan3A_141 : i32
      %scan3A_143 = arith.constant 1 : i32
      %scan3A_144 = scf.for %scan3A_179 = %scan3A_140 to %scan3A_142 step %scan3A_143 iter_args(%scan3A_180 = %scan3A_139) -> (i32)  : i32 {
        %mul3A_181 = arith.constant 16 : i32
        %mul3A_182 = arith.muli %scan3A_179, %mul3A_181 : i32
        %get3A = arith.index_cast %mul3A_182 : i32 to index
        %get3A_183 = tpu.vector_load %arg14[%get3A] {strides = array<i32>} : memref<448xi32, #tpu.memory_space<vmem>>, vector<16xi32>,
        %shift_right_logical3A = arith.constant 2 : i32
        %shift_right_logical3A_184 = vector.broadcast %shift_right_logical3A : i32 to vector<16xi32>
        %shift_right_logical3A_185 = arith.shrui %get3A_183, %shift_right_logical3A_184 : vector<16xi32>
        %mul3A_186 = arith.constant 16 : i32
        %mul3A_187 = arith.muli %scan3A_179, %mul3A_186 : i32
        %swap3A = arith.index_cast %mul3A_187 : i32 to index
        %swap3A_188 = tpu.vector_load %arg13[%swap3A] {strides = array<i32>} : memref<448xi32, #tpu.memory_space<vmem>>, vector<16xi32>,
        tpu.vector_store %arg13[%swap3A], %shift_right_logical3A_185 {strides = array<i32>} : memref<448xi32, #tpu.memory_space<vmem>>, vector<16xi32>,
        %and3A_189 = arith.constant 3 : i32
        %and3A_190 = vector.broadcast %and3A_189 : i32 to vector<16xi32>
        %and3A_191 = arith.andi %get3A_183, %and3A_190 : vector<16xi32>
        %mul3A_192 = arith.constant 16 : i32
        %mul3A_193 = arith.muli %scan3A_179, %mul3A_192 : i32
        %swap3A_194 = arith.index_cast %mul3A_193 : i32 to index
        %swap3A_195 = tpu.vector_load %arg15[%swap3A_194] {strides = array<i32>} : memref<448xi32, #tpu.memory_space<vmem>>, vector<16xi32>,
        tpu.vector_store %arg15[%swap3A_194], %and3A_191 {strides = array<i32>} : memref<448xi32, #tpu.memory_space<vmem>>, vector<16xi32>,
        %scan3A_196 = arith.constant 0 : i32
        scf.yield %scan3A_196 : i32
      }
      %scan3A_145 = arith.constant 28 : i32
      %dma_start3A_146 = arith.constant 0 : i32
      %dma_start3A_147 = arith.constant 0 : i32
      %dma_start3A_148 = tpu.memref_slice %arg2[%dma_start3A_146, %dma_start3A_147] : memref<250000x128xf32, #tpu.memory_space<hbm>> -> memref<250000x128xf32, #tpu.memory_space<hbm>>
      tpu.enqueue_indirect_dma source(%dma_start3A_148 : memref<250000x128xf32, #tpu.memory_space<hbm>>) target(%arg16 : memref<448x128xf32, #tpu.memory_space<vmem>>) offsets(%arg13 : memref<448xi32, #tpu.memory_space<vmem>>) semaphore(%arg20 : memref<!tpu.dma_semaphore, #tpu.memory_space<semaphore_mem>>)
      %dma_wait3A_149 = arith.constant 0 : i32
      %dma_wait3A_150 = arith.constant 0 : i32
      %dma_wait3A_151 = tpu.memref_slice %arg2[%dma_wait3A_149, %dma_wait3A_150] : memref<250000x128xf32, #tpu.memory_space<hbm>> -> memref<250000x128xf32, #tpu.memory_space<hbm>>
      tpu.wait_indirect_dma semaphore(%arg20 : memref<!tpu.dma_semaphore, #tpu.memory_space<semaphore_mem>>) src(%dma_wait3A_151 : memref<250000x128xf32, #tpu.memory_space<hbm>>) dst(%arg16 : memref<448x128xf32, #tpu.memory_space<vmem>>)
      %scan3A_152 = arith.constant 0 : i32
      %scan3A_153 = arith.constant 0 : i32
      %scan3A_154 = arith.constant 25 : i32
      %scan3A_155 = arith.addi %scan3A_153, %scan3A_154 : i32
      %scan3A_156 = arith.constant 1 : i32
      %scan3A_157 = scf.for %scan3A_179 = %scan3A_153 to %scan3A_155 step %scan3A_156 iter_args(%scan3A_180 = %scan3A_152) -> (i32)  : i32 {
        %mul3A_181 = arith.constant 16 : i32
        %mul3A_182 = arith.muli %scan3A_179, %mul3A_181 : i32
        %add3A_183 = vector.broadcast %mul3A_182 : i32 to vector<16xi32>
        %add3A_184 = arith.addi %iota3A, %add3A_183 : vector<16xi32>
        %mul3A_185 = arith.constant 32 : i32
        %mul3A_186 = vector.broadcast %mul3A_185 : i32 to vector<16xi32>
        %mul3A_187 = arith.muli %add3A_184, %mul3A_186 : vector<16xi32>
        %mul3A_188 = arith.constant 16 : i32
        %mul3A_189 = arith.muli %scan3A_179, %mul3A_188 : i32
        %get3A = arith.index_cast %mul3A_189 : i32 to index
        %get3A_190 = tpu.vector_load %arg15[%get3A] {strides = array<i32>} : memref<448xi32, #tpu.memory_space<vmem>>, vector<16xi32>,
        %mul3A_191 = arith.constant 32 : i32
        %mul3A_192 = vector.broadcast %mul3A_191 : i32 to vector<16xi32>
        %mul3A_193 = arith.muli %get3A_190, %mul3A_192 : vector<16xi32>
        %add3A_194 = arith.constant 0 : i32
        %add3A_195 = vector.broadcast %add3A_194 : i32 to vector<16xi32>
        %add3A_196 = arith.addi %mul3A_193, %add3A_195 : vector<16xi32>
        %gather3A = tpu.vector_load_idx %arg16[%add3A_184, %add3A_196] : memref<448x128xf32, #tpu.memory_space<vmem>>[vector<16xi32>, vector<16xi32>], vector<16xf32>,
        %add3A_197 = arith.constant 0 : i32
        %add3A_198 = vector.broadcast %add3A_197 : i32 to vector<16xi32>
        %add3A_199 = arith.addi %mul3A_187, %add3A_198 : vector<16xi32>
        tpu.vector_store_idx %arg17[%add3A_199], %gather3A : memref<14336xf32, #tpu.memory_space<vmem>>[vector<16xi32>], vector<16xf32>,
        %add3A_200 = arith.constant 1 : i32
        %add3A_201 = vector.broadcast %add3A_200 : i32 to vector<16xi32>
        %add3A_202 = arith.addi %mul3A_193, %add3A_201 : vector<16xi32>
        %gather3A_203 = tpu.vector_load_idx %arg16[%add3A_184, %add3A_202] : memref<448x128xf32, #tpu.memory_space<vmem>>[vector<16xi32>, vector<16xi32>], vector<16xf32>,
        %add3A_204 = arith.constant 1 : i32
        %add3A_205 = vector.broadcast %add3A_204 : i32 to vector<16xi32>
        %add3A_206 = arith.addi %mul3A_187, %add3A_205 : vector<16xi32>
        tpu.vector_store_idx %arg17[%add3A_206], %gather3A_203 : memref<14336xf32, #tpu.memory_space<vmem>>[vector<16xi32>], vector<16xf32>,
        %add3A_207 = arith.constant 2 : i32
        %add3A_208 = vector.broadcast %add3A_207 : i32 to vector<16xi32>
        %add3A_209 = arith.addi %mul3A_193, %add3A_208 : vector<16xi32>
        %gather3A_210 = tpu.vector_load_idx %arg16[%add3A_184, %add3A_209] : memref<448x128xf32, #tpu.memory_space<vmem>>[vector<16xi32>, vector<16xi32>], vector<16xf32>,
        %add3A_211 = arith.constant 2 : i32
        %add3A_212 = vector.broadcast %add3A_211 : i32 to vector<16xi32>
        %add3A_213 = arith.addi %mul3A_187, %add3A_212 : vector<16xi32>
        tpu.vector_store_idx %arg17[%add3A_213], %gather3A_210 : memref<14336xf32, #tpu.memory_space<vmem>>[vector<16xi32>], vector<16xf32>,
        %add3A_214 = arith.constant 3 : i32
        %add3A_215 = vector.broadcast %add3A_214 : i32 to vector<16xi32>
        %add3A_216 = arith.addi %mul3A_193, %add3A_215 : vector<16xi32>
        %gather3A_217 = tpu.vector_load_idx %arg16[%add3A_184, %add3A_216] : memref<448x128xf32, #tpu.memory_space<vmem>>[vector<16xi32>, vector<16xi32>], vector<16xf32>,
        %add3A_218 = arith.constant 3 : i32
        %add3A_219 = vector.broadcast %add3A_218 : i32 to vector<16xi32>
        %add3A_220 = arith.addi %mul3A_187, %add3A_219 : vector<16xi32>
        tpu.vector_store_idx %arg17[%add3A_220], %gather3A_217 : memref<14336xf32, #tpu.memory_space<vmem>>[vector<16xi32>], vector<16xf32>,
        %add3A_221 = arith.constant 4 : i32
        %add3A_222 = vector.broadcast %add3A_221 : i32 to vector<16xi32>
        %add3A_223 = arith.addi %mul3A_193, %add3A_222 : vector<16xi32>
        %gather3A_224 = tpu.vector_load_idx %arg16[%add3A_184, %add3A_223] : memref<448x128xf32, #tpu.memory_space<vmem>>[vector<16xi32>, vector<16xi32>], vector<16xf32>,
        %add3A_225 = arith.constant 4 : i32
        %add3A_226 = vector.broadcast %add3A_225 : i32 to vector<16xi32>
        %add3A_227 = arith.addi %mul3A_187, %add3A_226 : vector<16xi32>
        tpu.vector_store_idx %arg17[%add3A_227], %gather3A_224 : memref<14336xf32, #tpu.memory_space<vmem>>[vector<16xi32>], vector<16xf32>,
        %add3A_228 = arith.constant 5 : i32
        %add3A_229 = vector.broadcast %add3A_228 : i32 to vector<16xi32>
        %add3A_230 = arith.addi %mul3A_193, %add3A_229 : vector<16xi32>
        %gather3A_231 = tpu.vector_load_idx %arg16[%add3A_184, %add3A_230] : memref<448x128xf32, #tpu.memory_space<vmem>>[vector<16xi32>, vector<16xi32>], vector<16xf32>,
        %add3A_232 = arith.constant 5 : i32
        %add3A_233 = vector.broadcast %add3A_232 : i32 to vector<16xi32>
        %add3A_234 = arith.addi %mul3A_187, %add3A_233 : vector<16xi32>
        tpu.vector_store_idx %arg17[%add3A_234], %gather3A_231 : memref<14336xf32, #tpu.memory_space<vmem>>[vector<16xi32>], vector<16xf32>,
        %add3A_235 = arith.constant 6 : i32
        %add3A_236 = vector.broadcast %add3A_235 : i32 to vector<16xi32>
        %add3A_237 = arith.addi %mul3A_193, %add3A_236 : vector<16xi32>
        %gather3A_238 = tpu.vector_load_idx %arg16[%add3A_184, %add3A_237] : memref<448x128xf32, #tpu.memory_space<vmem>>[vector<16xi32>, vector<16xi32>], vector<16xf32>,
        %add3A_239 = arith.constant 6 : i32
        %add3A_240 = vector.broadcast %add3A_239 : i32 to vector<16xi32>
        %add3A_241 = arith.addi %mul3A_187, %add3A_240 : vector<16xi32>
        tpu.vector_store_idx %arg17[%add3A_241], %gather3A_238 : memref<14336xf32, #tpu.memory_space<vmem>>[vector<16xi32>], vector<16xf32>,
        %add3A_242 = arith.constant 7 : i32
        %add3A_243 = vector.broadcast %add3A_242 : i32 to vector<16xi32>
        %add3A_244 = arith.addi %mul3A_193, %add3A_243 : vector<16xi32>
        %gather3A_245 = tpu.vector_load_idx %arg16[%add3A_184, %add3A_244] : memref<448x128xf32, #tpu.memory_space<vmem>>[vector<16xi32>, vector<16xi32>], vector<16xf32>,
        %add3A_246 = arith.constant 7 : i32
        %add3A_247 = vector.broadcast %add3A_246 : i32 to vector<16xi32>
        %add3A_248 = arith.addi %mul3A_187, %add3A_247 : vector<16xi32>
        tpu.vector_store_idx %arg17[%add3A_248], %gather3A_245 : memref<14336xf32, #tpu.memory_space<vmem>>[vector<16xi32>], vector<16xf32>,
        %add3A_249 = arith.constant 8 : i32
        %add3A_250 = vector.broadcast %add3A_249 : i32 to vector<16xi32>
        %add3A_251 = arith.addi %mul3A_193, %add3A_250 : vector<16xi32>
        %gather3A_252 = tpu.vector_load_idx %arg16[%add3A_184, %add3A_251] : memref<448x128xf32, #tpu.memory_space<vmem>>[vector<16xi32>, vector<16xi32>], vector<16xf32>,
        %add3A_253 = arith.constant 8 : i32
        %add3A_254 = vector.broadcast %add3A_253 : i32 to vector<16xi32>
        %add3A_255 = arith.addi %mul3A_187, %add3A_254 : vector<16xi32>
        tpu.vector_store_idx %arg17[%add3A_255], %gather3A_252 : memref<14336xf32, #tpu.memory_space<vmem>>[vector<16xi32>], vector<16xf32>,
        %add3A_256 = arith.constant 9 : i32
        %add3A_257 = vector.broadcast %add3A_256 : i32 to vector<16xi32>
        %add3A_258 = arith.addi %mul3A_193, %add3A_257 : vector<16xi32>
        %gather3A_259 = tpu.vector_load_idx %arg16[%add3A_184, %add3A_258] : memref<448x128xf32, #tpu.memory_space<vmem>>[vector<16xi32>, vector<16xi32>], vector<16xf32>,
        %add3A_260 = arith.constant 9 : i32
        %add3A_261 = vector.broadcast %add3A_260 : i32 to vector<16xi32>
        %add3A_262 = arith.addi %mul3A_187, %add3A_261 : vector<16xi32>
        tpu.vector_store_idx %arg17[%add3A_262], %gather3A_259 : memref<14336xf32, #tpu.memory_space<vmem>>[vector<16xi32>], vector<16xf32>,
        %add3A_263 = arith.constant 10 : i32
        %add3A_264 = vector.broadcast %add3A_263 : i32 to vector<16xi32>
        %add3A_265 = arith.addi %mul3A_193, %add3A_264 : vector<16xi32>
        %gather3A_266 = tpu.vector_load_idx %arg16[%add3A_184, %add3A_265] : memref<448x128xf32, #tpu.memory_space<vmem>>[vector<16xi32>, vector<16xi32>], vector<16xf32>,
        %add3A_267 = arith.constant 10 : i32
        %add3A_268 = vector.broadcast %add3A_267 : i32 to vector<16xi32>
        %add3A_269 = arith.addi %mul3A_187, %add3A_268 : vector<16xi32>
        tpu.vector_store_idx %arg17[%add3A_269], %gather3A_266 : memref<14336xf32, #tpu.memory_space<vmem>>[vector<16xi32>], vector<16xf32>,
        %add3A_270 = arith.constant 11 : i32
        %add3A_271 = vector.broadcast %add3A_270 : i32 to vector<16xi32>
        %add3A_272 = arith.addi %mul3A_193, %add3A_271 : vector<16xi32>
        %gather3A_273 = tpu.vector_load_idx %arg16[%add3A_184, %add3A_272] : memref<448x128xf32, #tpu.memory_space<vmem>>[vector<16xi32>, vector<16xi32>], vector<16xf32>,
        %add3A_274 = arith.constant 11 : i32
        %add3A_275 = vector.broadcast %add3A_274 : i32 to vector<16xi32>
        %add3A_276 = arith.addi %mul3A_187, %add3A_275 : vector<16xi32>
        tpu.vector_store_idx %arg17[%add3A_276], %gather3A_273 : memref<14336xf32, #tpu.memory_space<vmem>>[vector<16xi32>], vector<16xf32>,
        %add3A_277 = arith.constant 12 : i32
        %add3A_278 = vector.broadcast %add3A_277 : i32 to vector<16xi32>
        %add3A_279 = arith.addi %mul3A_193, %add3A_278 : vector<16xi32>
        %gather3A_280 = tpu.vector_load_idx %arg16[%add3A_184, %add3A_279] : memref<448x128xf32, #tpu.memory_space<vmem>>[vector<16xi32>, vector<16xi32>], vector<16xf32>,
        %add3A_281 = arith.constant 12 : i32
        %add3A_282 = vector.broadcast %add3A_281 : i32 to vector<16xi32>
        %add3A_283 = arith.addi %mul3A_187, %add3A_282 : vector<16xi32>
        tpu.vector_store_idx %arg17[%add3A_283], %gather3A_280 : memref<14336xf32, #tpu.memory_space<vmem>>[vector<16xi32>], vector<16xf32>,
        %add3A_284 = arith.constant 13 : i32
        %add3A_285 = vector.broadcast %add3A_284 : i32 to vector<16xi32>
        %add3A_286 = arith.addi %mul3A_193, %add3A_285 : vector<16xi32>
        %gather3A_287 = tpu.vector_load_idx %arg16[%add3A_184, %add3A_286] : memref<448x128xf32, #tpu.memory_space<vmem>>[vector<16xi32>, vector<16xi32>], vector<16xf32>,
        %add3A_288 = arith.constant 13 : i32
        %add3A_289 = vector.broadcast %add3A_288 : i32 to vector<16xi32>
        %add3A_290 = arith.addi %mul3A_187, %add3A_289 : vector<16xi32>
        tpu.vector_store_idx %arg17[%add3A_290], %gather3A_287 : memref<14336xf32, #tpu.memory_space<vmem>>[vector<16xi32>], vector<16xf32>,
        %add3A_291 = arith.constant 14 : i32
        %add3A_292 = vector.broadcast %add3A_291 : i32 to vector<16xi32>
        %add3A_293 = arith.addi %mul3A_193, %add3A_292 : vector<16xi32>
        %gather3A_294 = tpu.vector_load_idx %arg16[%add3A_184, %add3A_293] : memref<448x128xf32, #tpu.memory_space<vmem>>[vector<16xi32>, vector<16xi32>], vector<16xf32>,
        %add3A_295 = arith.constant 14 : i32
        %add3A_296 = vector.broadcast %add3A_295 : i32 to vector<16xi32>
        %add3A_297 = arith.addi %mul3A_187, %add3A_296 : vector<16xi32>
        tpu.vector_store_idx %arg17[%add3A_297], %gather3A_294 : memref<14336xf32, #tpu.memory_space<vmem>>[vector<16xi32>], vector<16xf32>,
        %add3A_298 = arith.constant 15 : i32
        %add3A_299 = vector.broadcast %add3A_298 : i32 to vector<16xi32>
        %add3A_300 = arith.addi %mul3A_193, %add3A_299 : vector<16xi32>
        %gather3A_301 = tpu.vector_load_idx %arg16[%add3A_184, %add3A_300] : memref<448x128xf32, #tpu.memory_space<vmem>>[vector<16xi32>, vector<16xi32>], vector<16xf32>,
        %add3A_302 = arith.constant 15 : i32
        %add3A_303 = vector.broadcast %add3A_302 : i32 to vector<16xi32>
        %add3A_304 = arith.addi %mul3A_187, %add3A_303 : vector<16xi32>
        tpu.vector_store_idx %arg17[%add3A_304], %gather3A_301 : memref<14336xf32, #tpu.memory_space<vmem>>[vector<16xi32>], vector<16xf32>,
        %add3A_305 = arith.constant 16 : i32
        %add3A_306 = vector.broadcast %add3A_305 : i32 to vector<16xi32>
        %add3A_307 = arith.addi %mul3A_193, %add3A_306 : vector<16xi32>
        %gather3A_308 = tpu.vector_load_idx %arg16[%add3A_184, %add3A_307] : memref<448x128xf32, #tpu.memory_space<vmem>>[vector<16xi32>, vector<16xi32>], vector<16xf32>,
        %add3A_309 = arith.constant 16 : i32
        %add3A_310 = vector.broadcast %add3A_309 : i32 to vector<16xi32>
        %add3A_311 = arith.addi %mul3A_187, %add3A_310 : vector<16xi32>
        tpu.vector_store_idx %arg17[%add3A_311], %gather3A_308 : memref<14336xf32, #tpu.memory_space<vmem>>[vector<16xi32>], vector<16xf32>,
        %add3A_312 = arith.constant 17 : i32
        %add3A_313 = vector.broadcast %add3A_312 : i32 to vector<16xi32>
        %add3A_314 = arith.addi %mul3A_193, %add3A_313 : vector<16xi32>
        %gather3A_315 = tpu.vector_load_idx %arg16[%add3A_184, %add3A_314] : memref<448x128xf32, #tpu.memory_space<vmem>>[vector<16xi32>, vector<16xi32>], vector<16xf32>,
        %add3A_316 = arith.constant 17 : i32
        %add3A_317 = vector.broadcast %add3A_316 : i32 to vector<16xi32>
        %add3A_318 = arith.addi %mul3A_187, %add3A_317 : vector<16xi32>
        tpu.vector_store_idx %arg17[%add3A_318], %gather3A_315 : memref<14336xf32, #tpu.memory_space<vmem>>[vector<16xi32>], vector<16xf32>,
        %add3A_319 = arith.constant 18 : i32
        %add3A_320 = vector.broadcast %add3A_319 : i32 to vector<16xi32>
        %add3A_321 = arith.addi %mul3A_193, %add3A_320 : vector<16xi32>
        %gather3A_322 = tpu.vector_load_idx %arg16[%add3A_184, %add3A_321] : memref<448x128xf32, #tpu.memory_space<vmem>>[vector<16xi32>, vector<16xi32>], vector<16xf32>,
        %add3A_323 = arith.constant 18 : i32
        %add3A_324 = vector.broadcast %add3A_323 : i32 to vector<16xi32>
        %add3A_325 = arith.addi %mul3A_187, %add3A_324 : vector<16xi32>
        tpu.vector_store_idx %arg17[%add3A_325], %gather3A_322 : memref<14336xf32, #tpu.memory_space<vmem>>[vector<16xi32>], vector<16xf32>,
        %add3A_326 = arith.constant 19 : i32
        %add3A_327 = vector.broadcast %add3A_326 : i32 to vector<16xi32>
        %add3A_328 = arith.addi %mul3A_193, %add3A_327 : vector<16xi32>
        %gather3A_329 = tpu.vector_load_idx %arg16[%add3A_184, %add3A_328] : memref<448x128xf32, #tpu.memory_space<vmem>>[vector<16xi32>, vector<16xi32>], vector<16xf32>,
        %add3A_330 = arith.constant 19 : i32
        %add3A_331 = vector.broadcast %add3A_330 : i32 to vector<16xi32>
        %add3A_332 = arith.addi %mul3A_187, %add3A_331 : vector<16xi32>
        tpu.vector_store_idx %arg17[%add3A_332], %gather3A_329 : memref<14336xf32, #tpu.memory_space<vmem>>[vector<16xi32>], vector<16xf32>,
        %add3A_333 = arith.constant 20 : i32
        %add3A_334 = vector.broadcast %add3A_333 : i32 to vector<16xi32>
        %add3A_335 = arith.addi %mul3A_193, %add3A_334 : vector<16xi32>
        %gather3A_336 = tpu.vector_load_idx %arg16[%add3A_184, %add3A_335] : memref<448x128xf32, #tpu.memory_space<vmem>>[vector<16xi32>, vector<16xi32>], vector<16xf32>,
        %add3A_337 = arith.constant 20 : i32
        %add3A_338 = vector.broadcast %add3A_337 : i32 to vector<16xi32>
        %add3A_339 = arith.addi %mul3A_187, %add3A_338 : vector<16xi32>
        tpu.vector_store_idx %arg17[%add3A_339], %gather3A_336 : memref<14336xf32, #tpu.memory_space<vmem>>[vector<16xi32>], vector<16xf32>,
        %add3A_340 = arith.constant 21 : i32
        %add3A_341 = vector.broadcast %add3A_340 : i32 to vector<16xi32>
        %add3A_342 = arith.addi %mul3A_193, %add3A_341 : vector<16xi32>
        %gather3A_343 = tpu.vector_load_idx %arg16[%add3A_184, %add3A_342] : memref<448x128xf32, #tpu.memory_space<vmem>>[vector<16xi32>, vector<16xi32>], vector<16xf32>,
        %add3A_344 = arith.constant 21 : i32
        %add3A_345 = vector.broadcast %add3A_344 : i32 to vector<16xi32>
        %add3A_346 = arith.addi %mul3A_187, %add3A_345 : vector<16xi32>
        tpu.vector_store_idx %arg17[%add3A_346], %gather3A_343 : memref<14336xf32, #tpu.memory_space<vmem>>[vector<16xi32>], vector<16xf32>,
        %add3A_347 = arith.constant 22 : i32
        %add3A_348 = vector.broadcast %add3A_347 : i32 to vector<16xi32>
        %add3A_349 = arith.addi %mul3A_193, %add3A_348 : vector<16xi32>
        %gather3A_350 = tpu.vector_load_idx %arg16[%add3A_184, %add3A_349] : memref<448x128xf32, #tpu.memory_space<vmem>>[vector<16xi32>, vector<16xi32>], vector<16xf32>,
        %add3A_351 = arith.constant 22 : i32
        %add3A_352 = vector.broadcast %add3A_351 : i32 to vector<16xi32>
        %add3A_353 = arith.addi %mul3A_187, %add3A_352 : vector<16xi32>
        tpu.vector_store_idx %arg17[%add3A_353], %gather3A_350 : memref<14336xf32, #tpu.memory_space<vmem>>[vector<16xi32>], vector<16xf32>,
        %add3A_354 = arith.constant 23 : i32
        %add3A_355 = vector.broadcast %add3A_354 : i32 to vector<16xi32>
        %add3A_356 = arith.addi %mul3A_193, %add3A_355 : vector<16xi32>
        %gather3A_357 = tpu.vector_load_idx %arg16[%add3A_184, %add3A_356] : memref<448x128xf32, #tpu.memory_space<vmem>>[vector<16xi32>, vector<16xi32>], vector<16xf32>,
        %add3A_358 = arith.constant 23 : i32
        %add3A_359 = vector.broadcast %add3A_358 : i32 to vector<16xi32>
        %add3A_360 = arith.addi %mul3A_187, %add3A_359 : vector<16xi32>
        tpu.vector_store_idx %arg17[%add3A_360], %gather3A_357 : memref<14336xf32, #tpu.memory_space<vmem>>[vector<16xi32>], vector<16xf32>,
        %add3A_361 = arith.constant 24 : i32
        %add3A_362 = vector.broadcast %add3A_361 : i32 to vector<16xi32>
        %add3A_363 = arith.addi %mul3A_193, %add3A_362 : vector<16xi32>
        %gather3A_364 = tpu.vector_load_idx %arg16[%add3A_184, %add3A_363] : memref<448x128xf32, #tpu.memory_space<vmem>>[vector<16xi32>, vector<16xi32>], vector<16xf32>,
        %add3A_365 = arith.constant 24 : i32
        %add3A_366 = vector.broadcast %add3A_365 : i32 to vector<16xi32>
        %add3A_367 = arith.addi %mul3A_187, %add3A_366 : vector<16xi32>
        tpu.vector_store_idx %arg17[%add3A_367], %gather3A_364 : memref<14336xf32, #tpu.memory_space<vmem>>[vector<16xi32>], vector<16xf32>,
        %add3A_368 = arith.constant 25 : i32
        %add3A_369 = vector.broadcast %add3A_368 : i32 to vector<16xi32>
        %add3A_370 = arith.addi %mul3A_193, %add3A_369 : vector<16xi32>
        %gather3A_371 = tpu.vector_load_idx %arg16[%add3A_184, %add3A_370] : memref<448x128xf32, #tpu.memory_space<vmem>>[vector<16xi32>, vector<16xi32>], vector<16xf32>,
        %add3A_372 = arith.constant 25 : i32
        %add3A_373 = vector.broadcast %add3A_372 : i32 to vector<16xi32>
        %add3A_374 = arith.addi %mul3A_187, %add3A_373 : vector<16xi32>
        tpu.vector_store_idx %arg17[%add3A_374], %gather3A_371 : memref<14336xf32, #tpu.memory_space<vmem>>[vector<16xi32>], vector<16xf32>,
        %add3A_375 = arith.constant 26 : i32
        %add3A_376 = vector.broadcast %add3A_375 : i32 to vector<16xi32>
        %add3A_377 = arith.addi %mul3A_193, %add3A_376 : vector<16xi32>
        %gather3A_378 = tpu.vector_load_idx %arg16[%add3A_184, %add3A_377] : memref<448x128xf32, #tpu.memory_space<vmem>>[vector<16xi32>, vector<16xi32>], vector<16xf32>,
        %add3A_379 = arith.constant 26 : i32
        %add3A_380 = vector.broadcast %add3A_379 : i32 to vector<16xi32>
        %add3A_381 = arith.addi %mul3A_187, %add3A_380 : vector<16xi32>
        tpu.vector_store_idx %arg17[%add3A_381], %gather3A_378 : memref<14336xf32, #tpu.memory_space<vmem>>[vector<16xi32>], vector<16xf32>,
        %add3A_382 = arith.constant 27 : i32
        %add3A_383 = vector.broadcast %add3A_382 : i32 to vector<16xi32>
        %add3A_384 = arith.addi %mul3A_193, %add3A_383 : vector<16xi32>
        %gather3A_385 = tpu.vector_load_idx %arg16[%add3A_184, %add3A_384] : memref<448x128xf32, #tpu.memory_space<vmem>>[vector<16xi32>, vector<16xi32>], vector<16xf32>,
        %add3A_386 = arith.constant 27 : i32
        %add3A_387 = vector.broadcast %add3A_386 : i32 to vector<16xi32>
        %add3A_388 = arith.addi %mul3A_187, %add3A_387 : vector<16xi32>
        tpu.vector_store_idx %arg17[%add3A_388], %gather3A_385 : memref<14336xf32, #tpu.memory_space<vmem>>[vector<16xi32>], vector<16xf32>,
        %add3A_389 = arith.constant 28 : i32
        %add3A_390 = vector.broadcast %add3A_389 : i32 to vector<16xi32>
        %add3A_391 = arith.addi %mul3A_193, %add3A_390 : vector<16xi32>
        %gather3A_392 = tpu.vector_load_idx %arg16[%add3A_184, %add3A_391] : memref<448x128xf32, #tpu.memory_space<vmem>>[vector<16xi32>, vector<16xi32>], vector<16xf32>,
        %add3A_393 = arith.constant 28 : i32
        %add3A_394 = vector.broadcast %add3A_393 : i32 to vector<16xi32>
        %add3A_395 = arith.addi %mul3A_187, %add3A_394 : vector<16xi32>
        tpu.vector_store_idx %arg17[%add3A_395], %gather3A_392 : memref<14336xf32, #tpu.memory_space<vmem>>[vector<16xi32>], vector<16xf32>,
        %add3A_396 = arith.constant 29 : i32
        %add3A_397 = vector.broadcast %add3A_396 : i32 to vector<16xi32>
        %add3A_398 = arith.addi %mul3A_193, %add3A_397 : vector<16xi32>
        %gather3A_399 = tpu.vector_load_idx %arg16[%add3A_184, %add3A_398] : memref<448x128xf32, #tpu.memory_space<vmem>>[vector<16xi32>, vector<16xi32>], vector<16xf32>,
        %add3A_400 = arith.constant 29 : i32
        %add3A_401 = vector.broadcast %add3A_400 : i32 to vector<16xi32>
        %add3A_402 = arith.addi %mul3A_187, %add3A_401 : vector<16xi32>
        tpu.vector_store_idx %arg17[%add3A_402], %gather3A_399 : memref<14336xf32, #tpu.memory_space<vmem>>[vector<16xi32>], vector<16xf32>,
        %add3A_403 = arith.constant 30 : i32
        %add3A_404 = vector.broadcast %add3A_403 : i32 to vector<16xi32>
        %add3A_405 = arith.addi %mul3A_193, %add3A_404 : vector<16xi32>
        %gather3A_406 = tpu.vector_load_idx %arg16[%add3A_184, %add3A_405] : memref<448x128xf32, #tpu.memory_space<vmem>>[vector<16xi32>, vector<16xi32>], vector<16xf32>,
        %add3A_407 = arith.constant 30 : i32
        %add3A_408 = vector.broadcast %add3A_407 : i32 to vector<16xi32>
        %add3A_409 = arith.addi %mul3A_187, %add3A_408 : vector<16xi32>
        tpu.vector_store_idx %arg17[%add3A_409], %gather3A_406 : memref<14336xf32, #tpu.memory_space<vmem>>[vector<16xi32>], vector<16xf32>,
        %add3A_410 = arith.constant 31 : i32
        %add3A_411 = vector.broadcast %add3A_410 : i32 to vector<16xi32>
        %add3A_412 = arith.addi %mul3A_193, %add3A_411 : vector<16xi32>
        %gather3A_413 = tpu.vector_load_idx %arg16[%add3A_184, %add3A_412] : memref<448x128xf32, #tpu.memory_space<vmem>>[vector<16xi32>, vector<16xi32>], vector<16xf32>,
        %add3A_414 = arith.constant 31 : i32
        %add3A_415 = vector.broadcast %add3A_414 : i32 to vector<16xi32>
        %add3A_416 = arith.addi %mul3A_187, %add3A_415 : vector<16xi32>
        tpu.vector_store_idx %arg17[%add3A_416], %gather3A_413 : memref<14336xf32, #tpu.memory_space<vmem>>[vector<16xi32>], vector<16xf32>,
        %scan3A_417 = arith.constant 0 : i32
        scf.yield %scan3A_417 : i32
      }
      %scan3A_158 = arith.constant 25 : i32
      %scan3A_159 = arith.constant 0 : i32
      %scan3A_160 = arith.constant 0 : i32
      %scan3A_161 = arith.constant 25 : i32
      %scan3A_162 = arith.addi %scan3A_160, %scan3A_161 : i32
      %scan3A_163 = arith.constant 1 : i32
      %scan3A_164 = scf.for %scan3A_179 = %scan3A_160 to %scan3A_162 step %scan3A_163 iter_args(%scan3A_180 = %scan3A_159) -> (i32)  : i32 {
        %mul3A_181 = arith.constant 16 : i32
        %mul3A_182 = arith.muli %scan3A_179, %mul3A_181 : i32
        %get3A = arith.index_cast %mul3A_182 : i32 to index
        %get3A_183 = tpu.vector_load %arg12[%get3A] {strides = array<i32>} : memref<400xi32, #tpu.memory_space<vmem>>, vector<16xi32>,
        %lt3A = arith.constant 0 : i32
        %lt3A_184 = vector.broadcast %lt3A : i32 to vector<16xi32>
        %lt3A_185 = arith.cmpi slt, %get3A_183, %lt3A_184 : vector<16xi32>
        %mul3A_186 = arith.constant 16 : i32
        %mul3A_187 = arith.muli %scan3A_179, %mul3A_186 : i32
        %add3A_188 = vector.broadcast %mul3A_187 : i32 to vector<16xi32>
        %add3A_189 = arith.addi %iota3A, %add3A_188 : vector<16xi32>
        %mul3A_190 = arith.constant 32 : i32
        %mul3A_191 = vector.broadcast %mul3A_190 : i32 to vector<16xi32>
        %mul3A_192 = arith.muli %add3A_189, %mul3A_191 : vector<16xi32>
        %jit3A_193 = arith.constant 14304 : i32
        %broadcast_in_dim3A_194 = vector.broadcast %jit3A_193 : i32 to vector<16xi32>
        %select_n3A_195 = arith.select %lt3A_185, %mul3A_192, %broadcast_in_dim3A_194 : vector<16xi1>, vector<16xi32>
        %add3A_196 = arith.constant 0 : i32
        %add3A_197 = vector.broadcast %add3A_196 : i32 to vector<16xi32>
        %add3A_198 = arith.addi %select_n3A_195, %add3A_197 : vector<16xi32>
        tpu.vector_store_idx %arg17[%add3A_198], %broadcast_in_dim3A_3 : memref<14336xf32, #tpu.memory_space<vmem>>[vector<16xi32>], vector<16xf32>,
        %add3A_199 = arith.constant 1 : i32
        %add3A_200 = vector.broadcast %add3A_199 : i32 to vector<16xi32>
        %add3A_201 = arith.addi %select_n3A_195, %add3A_200 : vector<16xi32>
        tpu.vector_store_idx %arg17[%add3A_201], %broadcast_in_dim3A_3 : memref<14336xf32, #tpu.memory_space<vmem>>[vector<16xi32>], vector<16xf32>,
        %add3A_202 = arith.constant 2 : i32
        %add3A_203 = vector.broadcast %add3A_202 : i32 to vector<16xi32>
        %add3A_204 = arith.addi %select_n3A_195, %add3A_203 : vector<16xi32>
        tpu.vector_store_idx %arg17[%add3A_204], %broadcast_in_dim3A_3 : memref<14336xf32, #tpu.memory_space<vmem>>[vector<16xi32>], vector<16xf32>,
        %add3A_205 = arith.constant 3 : i32
        %add3A_206 = vector.broadcast %add3A_205 : i32 to vector<16xi32>
        %add3A_207 = arith.addi %select_n3A_195, %add3A_206 : vector<16xi32>
        tpu.vector_store_idx %arg17[%add3A_207], %broadcast_in_dim3A_3 : memref<14336xf32, #tpu.memory_space<vmem>>[vector<16xi32>], vector<16xf32>,
        %add3A_208 = arith.constant 4 : i32
        %add3A_209 = vector.broadcast %add3A_208 : i32 to vector<16xi32>
        %add3A_210 = arith.addi %select_n3A_195, %add3A_209 : vector<16xi32>
        tpu.vector_store_idx %arg17[%add3A_210], %broadcast_in_dim3A_3 : memref<14336xf32, #tpu.memory_space<vmem>>[vector<16xi32>], vector<16xf32>,
        %add3A_211 = arith.constant 5 : i32
        %add3A_212 = vector.broadcast %add3A_211 : i32 to vector<16xi32>
        %add3A_213 = arith.addi %select_n3A_195, %add3A_212 : vector<16xi32>
        tpu.vector_store_idx %arg17[%add3A_213], %broadcast_in_dim3A_3 : memref<14336xf32, #tpu.memory_space<vmem>>[vector<16xi32>], vector<16xf32>,
        %add3A_214 = arith.constant 6 : i32
        %add3A_215 = vector.broadcast %add3A_214 : i32 to vector<16xi32>
        %add3A_216 = arith.addi %select_n3A_195, %add3A_215 : vector<16xi32>
        tpu.vector_store_idx %arg17[%add3A_216], %broadcast_in_dim3A_3 : memref<14336xf32, #tpu.memory_space<vmem>>[vector<16xi32>], vector<16xf32>,
        %add3A_217 = arith.constant 7 : i32
        %add3A_218 = vector.broadcast %add3A_217 : i32 to vector<16xi32>
        %add3A_219 = arith.addi %select_n3A_195, %add3A_218 : vector<16xi32>
        tpu.vector_store_idx %arg17[%add3A_219], %broadcast_in_dim3A_3 : memref<14336xf32, #tpu.memory_space<vmem>>[vector<16xi32>], vector<16xf32>,
        %add3A_220 = arith.constant 8 : i32
        %add3A_221 = vector.broadcast %add3A_220 : i32 to vector<16xi32>
        %add3A_222 = arith.addi %select_n3A_195, %add3A_221 : vector<16xi32>
        tpu.vector_store_idx %arg17[%add3A_222], %broadcast_in_dim3A_3 : memref<14336xf32, #tpu.memory_space<vmem>>[vector<16xi32>], vector<16xf32>,
        %add3A_223 = arith.constant 9 : i32
        %add3A_224 = vector.broadcast %add3A_223 : i32 to vector<16xi32>
        %add3A_225 = arith.addi %select_n3A_195, %add3A_224 : vector<16xi32>
        tpu.vector_store_idx %arg17[%add3A_225], %broadcast_in_dim3A_3 : memref<14336xf32, #tpu.memory_space<vmem>>[vector<16xi32>], vector<16xf32>,
        %add3A_226 = arith.constant 10 : i32
        %add3A_227 = vector.broadcast %add3A_226 : i32 to vector<16xi32>
        %add3A_228 = arith.addi %select_n3A_195, %add3A_227 : vector<16xi32>
        tpu.vector_store_idx %arg17[%add3A_228], %broadcast_in_dim3A_3 : memref<14336xf32, #tpu.memory_space<vmem>>[vector<16xi32>], vector<16xf32>,
        %add3A_229 = arith.constant 11 : i32
        %add3A_230 = vector.broadcast %add3A_229 : i32 to vector<16xi32>
        %add3A_231 = arith.addi %select_n3A_195, %add3A_230 : vector<16xi32>
        tpu.vector_store_idx %arg17[%add3A_231], %broadcast_in_dim3A_3 : memref<14336xf32, #tpu.memory_space<vmem>>[vector<16xi32>], vector<16xf32>,
        %add3A_232 = arith.constant 12 : i32
        %add3A_233 = vector.broadcast %add3A_232 : i32 to vector<16xi32>
        %add3A_234 = arith.addi %select_n3A_195, %add3A_233 : vector<16xi32>
        tpu.vector_store_idx %arg17[%add3A_234], %broadcast_in_dim3A_3 : memref<14336xf32, #tpu.memory_space<vmem>>[vector<16xi32>], vector<16xf32>,
        %add3A_235 = arith.constant 13 : i32
        %add3A_236 = vector.broadcast %add3A_235 : i32 to vector<16xi32>
        %add3A_237 = arith.addi %select_n3A_195, %add3A_236 : vector<16xi32>
        tpu.vector_store_idx %arg17[%add3A_237], %broadcast_in_dim3A_3 : memref<14336xf32, #tpu.memory_space<vmem>>[vector<16xi32>], vector<16xf32>,
        %add3A_238 = arith.constant 14 : i32
        %add3A_239 = vector.broadcast %add3A_238 : i32 to vector<16xi32>
        %add3A_240 = arith.addi %select_n3A_195, %add3A_239 : vector<16xi32>
        tpu.vector_store_idx %arg17[%add3A_240], %broadcast_in_dim3A_3 : memref<14336xf32, #tpu.memory_space<vmem>>[vector<16xi32>], vector<16xf32>,
        %add3A_241 = arith.constant 15 : i32
        %add3A_242 = vector.broadcast %add3A_241 : i32 to vector<16xi32>
        %add3A_243 = arith.addi %select_n3A_195, %add3A_242 : vector<16xi32>
        tpu.vector_store_idx %arg17[%add3A_243], %broadcast_in_dim3A_3 : memref<14336xf32, #tpu.memory_space<vmem>>[vector<16xi32>], vector<16xf32>,
        %add3A_244 = arith.constant 16 : i32
        %add3A_245 = vector.broadcast %add3A_244 : i32 to vector<16xi32>
        %add3A_246 = arith.addi %select_n3A_195, %add3A_245 : vector<16xi32>
        tpu.vector_store_idx %arg17[%add3A_246], %broadcast_in_dim3A_3 : memref<14336xf32, #tpu.memory_space<vmem>>[vector<16xi32>], vector<16xf32>,
        %add3A_247 = arith.constant 17 : i32
        %add3A_248 = vector.broadcast %add3A_247 : i32 to vector<16xi32>
        %add3A_249 = arith.addi %select_n3A_195, %add3A_248 : vector<16xi32>
        tpu.vector_store_idx %arg17[%add3A_249], %broadcast_in_dim3A_3 : memref<14336xf32, #tpu.memory_space<vmem>>[vector<16xi32>], vector<16xf32>,
        %add3A_250 = arith.constant 18 : i32
        %add3A_251 = vector.broadcast %add3A_250 : i32 to vector<16xi32>
        %add3A_252 = arith.addi %select_n3A_195, %add3A_251 : vector<16xi32>
        tpu.vector_store_idx %arg17[%add3A_252], %broadcast_in_dim3A_3 : memref<14336xf32, #tpu.memory_space<vmem>>[vector<16xi32>], vector<16xf32>,
        %add3A_253 = arith.constant 19 : i32
        %add3A_254 = vector.broadcast %add3A_253 : i32 to vector<16xi32>
        %add3A_255 = arith.addi %select_n3A_195, %add3A_254 : vector<16xi32>
        tpu.vector_store_idx %arg17[%add3A_255], %broadcast_in_dim3A_3 : memref<14336xf32, #tpu.memory_space<vmem>>[vector<16xi32>], vector<16xf32>,
        %add3A_256 = arith.constant 20 : i32
        %add3A_257 = vector.broadcast %add3A_256 : i32 to vector<16xi32>
        %add3A_258 = arith.addi %select_n3A_195, %add3A_257 : vector<16xi32>
        tpu.vector_store_idx %arg17[%add3A_258], %broadcast_in_dim3A_3 : memref<14336xf32, #tpu.memory_space<vmem>>[vector<16xi32>], vector<16xf32>,
        %add3A_259 = arith.constant 21 : i32
        %add3A_260 = vector.broadcast %add3A_259 : i32 to vector<16xi32>
        %add3A_261 = arith.addi %select_n3A_195, %add3A_260 : vector<16xi32>
        tpu.vector_store_idx %arg17[%add3A_261], %broadcast_in_dim3A_3 : memref<14336xf32, #tpu.memory_space<vmem>>[vector<16xi32>], vector<16xf32>,
        %add3A_262 = arith.constant 22 : i32
        %add3A_263 = vector.broadcast %add3A_262 : i32 to vector<16xi32>
        %add3A_264 = arith.addi %select_n3A_195, %add3A_263 : vector<16xi32>
        tpu.vector_store_idx %arg17[%add3A_264], %broadcast_in_dim3A_3 : memref<14336xf32, #tpu.memory_space<vmem>>[vector<16xi32>], vector<16xf32>,
        %add3A_265 = arith.constant 23 : i32
        %add3A_266 = vector.broadcast %add3A_265 : i32 to vector<16xi32>
        %add3A_267 = arith.addi %select_n3A_195, %add3A_266 : vector<16xi32>
        tpu.vector_store_idx %arg17[%add3A_267], %broadcast_in_dim3A_3 : memref<14336xf32, #tpu.memory_space<vmem>>[vector<16xi32>], vector<16xf32>,
        %add3A_268 = arith.constant 24 : i32
        %add3A_269 = vector.broadcast %add3A_268 : i32 to vector<16xi32>
        %add3A_270 = arith.addi %select_n3A_195, %add3A_269 : vector<16xi32>
        tpu.vector_store_idx %arg17[%add3A_270], %broadcast_in_dim3A_3 : memref<14336xf32, #tpu.memory_space<vmem>>[vector<16xi32>], vector<16xf32>,
        %add3A_271 = arith.constant 25 : i32
        %add3A_272 = vector.broadcast %add3A_271 : i32 to vector<16xi32>
        %add3A_273 = arith.addi %select_n3A_195, %add3A_272 : vector<16xi32>
        tpu.vector_store_idx %arg17[%add3A_273], %broadcast_in_dim3A_3 : memref<14336xf32, #tpu.memory_space<vmem>>[vector<16xi32>], vector<16xf32>,
        %add3A_274 = arith.constant 26 : i32
        %add3A_275 = vector.broadcast %add3A_274 : i32 to vector<16xi32>
        %add3A_276 = arith.addi %select_n3A_195, %add3A_275 : vector<16xi32>
        tpu.vector_store_idx %arg17[%add3A_276], %broadcast_in_dim3A_3 : memref<14336xf32, #tpu.memory_space<vmem>>[vector<16xi32>], vector<16xf32>,
        %add3A_277 = arith.constant 27 : i32
        %add3A_278 = vector.broadcast %add3A_277 : i32 to vector<16xi32>
        %add3A_279 = arith.addi %select_n3A_195, %add3A_278 : vector<16xi32>
        tpu.vector_store_idx %arg17[%add3A_279], %broadcast_in_dim3A_3 : memref<14336xf32, #tpu.memory_space<vmem>>[vector<16xi32>], vector<16xf32>,
        %add3A_280 = arith.constant 28 : i32
        %add3A_281 = vector.broadcast %add3A_280 : i32 to vector<16xi32>
        %add3A_282 = arith.addi %select_n3A_195, %add3A_281 : vector<16xi32>
        tpu.vector_store_idx %arg17[%add3A_282], %broadcast_in_dim3A_3 : memref<14336xf32, #tpu.memory_space<vmem>>[vector<16xi32>], vector<16xf32>,
        %add3A_283 = arith.constant 29 : i32
        %add3A_284 = vector.broadcast %add3A_283 : i32 to vector<16xi32>
        %add3A_285 = arith.addi %select_n3A_195, %add3A_284 : vector<16xi32>
        tpu.vector_store_idx %arg17[%add3A_285], %broadcast_in_dim3A_3 : memref<14336xf32, #tpu.memory_space<vmem>>[vector<16xi32>], vector<16xf32>,
        %add3A_286 = arith.constant 30 : i32
        %add3A_287 = vector.broadcast %add3A_286 : i32 to vector<16xi32>
        %add3A_288 = arith.addi %select_n3A_195, %add3A_287 : vector<16xi32>
        tpu.vector_store_idx %arg17[%add3A_288], %broadcast_in_dim3A_3 : memref<14336xf32, #tpu.memory_space<vmem>>[vector<16xi32>], vector<16xf32>,
        %add3A_289 = arith.constant 31 : i32
        %add3A_290 = vector.broadcast %add3A_289 : i32 to vector<16xi32>
        %add3A_291 = arith.addi %select_n3A_195, %add3A_290 : vector<16xi32>
        tpu.vector_store_idx %arg17[%add3A_291], %broadcast_in_dim3A_3 : memref<14336xf32, #tpu.memory_space<vmem>>[vector<16xi32>], vector<16xf32>,
        %scan3A_292 = arith.constant 0 : i32
        scf.yield %scan3A_292 : i32
      }
      %scan3A_165 = arith.constant 25 : i32
      %dma_start3A_166 = arith.constant 0 : i32
      %dma_start3A_167 = tpu.memref_slice %arg17[%dma_start3A_166] : memref<14336xf32, #tpu.memory_space<vmem>> -> memref<12800xf32, #tpu.memory_space<vmem>>
      %dma_start3A_168 = tpu.memref_slice %arg5[%mul3A_116] : memref<32000000xf32, #tpu.memory_space<hbm>> -> memref<12800xf32, #tpu.memory_space<hbm>>
      %dma_start3A_169 = tpu.memref_slice %arg5[%mul3A_116] : memref<32000000xf32, #tpu.memory_space<hbm>> -> memref<12800xf32, #tpu.memory_space<hbm>>
      %dma_start3A_170 = arith.constant 0 : i32
      %dma_start3A_171 = tpu.memref_slice %arg17[%dma_start3A_170] : memref<14336xf32, #tpu.memory_space<vmem>> -> memref<12800xf32, #tpu.memory_space<vmem>>
      tpu.enqueue_dma source(%dma_start3A_171 : memref<12800xf32, #tpu.memory_space<vmem>>) target(%dma_start3A_169 : memref<12800xf32, #tpu.memory_space<hbm>>) target_semaphore(%arg22 : memref<!tpu.dma_semaphore, #tpu.memory_space<semaphore_mem>>)
      %dma_wait3A_172 = arith.constant 0 : i32
      %dma_wait3A_173 = tpu.memref_slice %arg17[%dma_wait3A_172] : memref<14336xf32, #tpu.memory_space<vmem>> -> memref<12800xf32, #tpu.memory_space<vmem>>
      %dma_wait3A_174 = tpu.memref_slice %arg5[%mul3A_116] : memref<32000000xf32, #tpu.memory_space<hbm>> -> memref<12800xf32, #tpu.memory_space<hbm>>
      %dma_wait3A_175 = tpu.memref_slice %arg5[%mul3A_116] : memref<32000000xf32, #tpu.memory_space<hbm>> -> memref<12800xf32, #tpu.memory_space<hbm>>
      %dma_wait3A_176 = arith.constant 0 : i32
      %dma_wait3A_177 = tpu.memref_slice %arg17[%dma_wait3A_176] : memref<14336xf32, #tpu.memory_space<vmem>> -> memref<12800xf32, #tpu.memory_space<vmem>>
      tpu.wait_dma2 semaphore(%arg22 : memref<!tpu.dma_semaphore, #tpu.memory_space<semaphore_mem>>) src(%dma_wait3A_177 : memref<12800xf32, #tpu.memory_space<vmem>>) dst(%dma_wait3A_175 : memref<12800xf32, #tpu.memory_space<hbm>>)
      %while3A_178 = arith.constant 0 : i32
      scf.yield %while3A_178 : i32
    }
    return
  }
}

</mosaic_0001>

<sc_bundles>
// kernel: _run.3.cloned.1.call-start
scs
__scs_entry_jumppad:
0x0: {  	(pc) =	sbr.rel $0x88, $3  }
0x1: {  	(tag) =	ssettag $0x0;
	lr =	simm.s32 $0x1  }
0x2: {  	[smem:$0x3F9E] =	sst lr;
	_ =	strace $0xD0000000  }
0x3: {  	_ = 	snop  }
0x4: {  	_ = 	snop  }
0x5: {  	_ = 	snop  }
0x6: {  	_ = 	snop  }
0x7: {  	_ = 	snop  }
__scs_overlays_trampoline_lowered:
0x8: {  	[smem:$0x3FAD] =	sst s0  }
0x9: {  	[smem:$0x3FAE] =	sst s1  }
0xa: {  	[smem:$0x3FAF] =	sst s2  }
0xb: {  	[smem:$0x3FB0] =	sst s3  }
0xc: {  	[smem:$0x3FB1] =	sst s4  }
0xd: {  	[smem:$0x3FB2] =	sst s5  }
0xe: {  	[smem:$0x3FB3] =	sst s6  }
0xf: {  	[smem:$0x3FB4] =	sst s7  }
0x10: {  	[smem:$0x3FB5] =	sst s8  }
0x11: {  	[smem:$0x3FB6] =	sst s9;
	s0 =	simm.s32 @!p0 $0x0  }
0x12: {  	s1 =	sld [smem:$0x3F9C];
	s0 =	simm.s32 @p0 $0x1  }
0x13: {  	[smem:$0x3FB7] =	sst s0;
	s0 =	simm.s32 @!p1 $0x0  }
0x14: {  	s2 =	sld [smem:$0x3F9B];
	s0 =	simm.s32 @p1 $0x1  }
0x15: {  	[smem:$0x3FB8] =	sst s0;
	s0 =	simm.s32 @!p2 $0x0  }
0x16: {  	s3 =	sld [smem:$0x3FDB];
	s0 =	simm.s32 @p2 $0x1  }
0x17: {  	s4 =	simm.s32 $0x1BF5;
	[smem:$0x3FBA] =	sst s0  }
0x18: {  	s0 =	sld [smem:$0x3F9D];
	_ =	swait.ge [sflag:s4], $0x0  }
0x19: {  	s7 =	sld [smem:$0x3F9E]  }
0x1a: {  	s8 =	sadd.s32 $0xFFFFE003, lr  }
0x1b: {  	s9 =	sadd.s32 $0xFFFFFEF7, lr;
	s5 =	simm.s32 $0xFFFFFFFF;
	p2 =	slt.u32 s8, $0xFFFFF086  }
0x1c: {  	p1 =	slt.u32 s9, $0xF7A;
	s5 =	simm.s32 @!p2 $0x0  }
0x1d: {  	s5 =	simm.s32 @p1 $0x1;
	p0 =	seq.s32 s7, s2  }
0x1e: {  	s7 =	smul.u32 @!p0 $0xF7A, s2;
	p2 =	seq.s32 @!p0 s5, $0x0  }
0x1f: {  	s9 =	smul.u32 $0xF7A, s1;
	s8 =	simm.s32 @!p0 $0x1BF5;
	p2 =	por !p2, p0  }
0x20: {  	[sflag:s8] =	ssyncset.s32 @!p0 $0xFFFFF086;
	s6 =	sadd.s32 @!p0 s3, s7;
	s7 =	simm.s32 @!p0 $0x108  }
0x21: {  	s3 =	sadd.s32 s3, s9;
	s6 =	sadd.s32 @!p0 $0x88, s6;
	s7 =	simm.s32 @p2 $0x1082  }
0x22: {  	[simem:s7], [sflag:s8] =	dma.local @!p0 [hbm:s6], $0xF7A  }
0x23: {  	s9 =	sor.u32 $0xD0000000, s2;
	s6 =	simm.s32 $0x108;
	_ =	swait.ge @!p0 [sflag:s8], $0x0  }
0x24: {  	s3 =	sadd.s32 $0x88, s3;
	s6 =	simm.s32 @!p1 $0x1082;
	[sflag:s4] =	ssyncset.s32 $0xFFFFF086  }
0x25: {  	[simem:s6], [sflag:s4] =	dma.local [hbm:s3], $0xF7A  }
0x26: {  	[smem:$0x3F9E] =	sst s1;
	(tag) =	ssettag s2;
	_ =	strace s9  }
0x27: {  	s1 =	sld [smem:$0x3FAE]  }
0x28: {  	s2 =	sld [smem:$0x3FAF]  }
0x29: {  	s4 =	sld [smem:$0x3FB1]  }
0x2a: {  	p0 =	seq.s32 s5, $0x0;
	s5 =	sld [smem:$0x3FB2]  }
0x2b: {  	s6 =	sld [smem:$0x3FB3]  }
0x2c: {  	s7 =	sld [smem:$0x3FB4]  }
0x2d: {  	s3 =	simm.s32 $0x108;
	s8 =	sld [smem:$0x3FB5]  }
0x2e: {  	s3 =	simm.s32 @!p0 $0x1082;
	s9 =	sld [smem:$0x3FB6]  }
0x2f: {  	lr =	sadd.s32 s0, s3;
	s0 =	sld [smem:$0x3FAD]  }
0x30: {  	s3 =	sld [smem:$0x3FB0]  }
0x31: {  	[smem:$0x3FB9] =	sst s10  }
0x32: {  	s10 =	sld [smem:$0x3FB7];
	_ =	sdelay $0x3  }
0x33: {  	p0 =	seq.s32 s10, $0x1;
	s10 =	sld [smem:$0x3FB9];
	_ =	sdelay $0x3  }
0x34: {  	[smem:$0x3FB9] =	sst s10  }
0x35: {  	s10 =	sld [smem:$0x3FB8];
	_ =	sdelay $0x3  }
0x36: {  	p1 =	seq.s32 s10, $0x1;
	s10 =	sld [smem:$0x3FB9];
	_ =	sdelay $0x3  }
0x37: {  	[smem:$0x3FB9] =	sst s10  }
0x38: {  	s10 =	sld [smem:$0x3FBA]  }
0x39: {  	_ = 	snop;
	(pc) =	sbr.ind lr, $3  }
0x3a: {  	_ = 	snop  }
0x3b: {  	_ = 	snop  }
0x3c: {  	p2 =	seq.s32 s10, $0x1;
	s10 =	sld [smem:$0x3FB9]  }
0x3d: {  	_ =	shalt  }
0x3e: {  	_ =	shalt  }
0x3f: {  	_ =	shalt  }
0x40: {  	_ =	shalt  }
0x41: {  	_ =	shalt  }
0x42: {  	_ =	shalt  }
0x43: {  	_ =	shalt  }
0x44: {  	_ =	shalt  }
0x45: {  	_ =	shalt  }
0x46: {  	_ =	shalt  }
0x47: {  	_ =	shalt  }
0x48: {  	_ =	shalt  }
0x49: {  	_ =	shalt  }
0x4a: {  	_ =	shalt  }
0x4b: {  	_ =	shalt  }
0x4c: {  	_ =	shalt  }
0x4d: {  	_ =	shalt  }
0x4e: {  	_ =	shalt  }
0x4f: {  	_ =	shalt  }
0x50: {  	_ =	shalt  }
0x51: {  	_ =	shalt  }
0x52: {  	_ =	shalt  }
0x53: {  	_ =	shalt  }
0x54: {  	_ =	shalt  }
0x55: {  	_ =	shalt  }
0x56: {  	_ =	shalt  }
0x57: {  	_ =	shalt  }
0x58: {  	_ =	shalt  }
0x59: {  	_ =	shalt  }
0x5a: {  	_ =	shalt  }
0x5b: {  	_ =	shalt  }
0x5c: {  	_ =	shalt  }
0x5d: {  	_ =	shalt  }
0x5e: {  	_ =	shalt  }
0x5f: {  	_ =	shalt  }
0x60: {  	_ =	shalt  }
0x61: {  	_ =	shalt  }
0x62: {  	_ =	shalt  }
0x63: {  	_ =	shalt  }
0x64: {  	_ =	shalt  }
0x65: {  	_ =	shalt  }
0x66: {  	_ =	shalt  }
0x67: {  	_ =	shalt  }
0x68: {  	_ =	shalt  }
0x69: {  	_ =	shalt  }
0x6a: {  	_ =	shalt  }
0x6b: {  	_ =	shalt  }
0x6c: {  	_ =	shalt  }
0x6d: {  	_ =	shalt  }
0x6e: {  	_ =	shalt  }
0x6f: {  	_ =	shalt  }
0x70: {  	_ =	shalt  }
0x71: {  	_ =	shalt  }
0x72: {  	_ =	shalt  }
0x73: {  	_ =	shalt  }
0x74: {  	_ =	shalt  }
0x75: {  	_ =	shalt  }
0x76: {  	_ =	shalt  }
0x77: {  	_ =	shalt  }
0x78: {  	_ =	shalt  }
0x79: {  	_ =	shalt  }
0x7a: {  	_ =	shalt  }
0x7b: {  	_ =	shalt  }
0x7c: {  	_ =	shalt  }
0x7d: {  	_ =	shalt  }
0x7e: {  	_ =	shalt  }
0x7f: {  	_ =	shalt  }
0x80: {  	_ =	shalt  }
0x81: {  	_ =	shalt  }
0x82: {  	_ =	shalt  }
0x83: {  	_ =	shalt  }
0x84: {  	_ =	shalt  }
0x85: {  	_ =	shalt  }
0x86: {  	_ =	shalt  }
0x87: {  	_ =	shalt  }
.Lfunc_end0:
.L_simem_size_0:
called_computation_lowered:
.L_overlay_start_0:
0x88: {  	s2 =	sld [smem:$0x3FD9]  }
0x89: {  	s3 =	sld [smem:$0x3FFE];
	_ =	sdelay $0x1  }
0x8a: {  	s1 =	srdreg.scid  }
0x8b: {  	s0 =	sand.u32 $0x1, s1  }
0x8c: {  	s18 =	sshll.u32 s0, $0xA;
	s2 =	sadd.s32 s3, s2  }
0x8d: {  	s2 =	sadd.s32 s2, s18  }
0x8e: {  	[smem:$0x3FC5] =	sst s2  }
0x8f: {  	_ = 	snop  }
0x90: {  	s2 =	sld [smem:$0x3FC9]  }
0x91: {  	s19 =	sld [smem:$0x3FC8]  }
0x92: {  	s4 =	sld [smem:$0x3FC7]  }
0x93: {  	s5 =	sld [smem:$0x3FD0];
	(tm) =	ssettm $0x1  }
0x94: {  	s6 =	sld [smem:$0x3FFB];
	_ =	sdelay $0x3  }
0x95: {  	_ =	strace s6  }
0x96: {  	s6 =	sld [smem:$0x3FFC];
	_ =	sdelay $0x3  }
0x97: {  	_ =	strace s6  }
0x98: {  	s6 =	sld [smem:$0x3FFD];
	_ =	sdelay $0x3  }
0x99: {  	_ =	strace s6  }
0x9a: {  	_ =	strace $0x8FFFFFFF  }
0x9b: {  	s20 =	sld [smem:$0x3FDB];
	_ =	sdelay $0x1  }
0x9c: {  	s7 =	simm.s32 $_scs_section_size  }
0x9d: {  	s8 =	simm.s32 $_size__tile_overlayer_lowered;
	s9 =	simm.s32 $_tile_overlayer_lowered  }
0x9e: {  	s23 =	simm.s32 $0x1BFF;
	s22 =	sshll.u32 s9, $0x1;
	s6 =	sadd.s32 s7, s20  }
0x9f: {  	s10 =	simm.s32 $0x0;
	s21 =	sshll.u32 s8, $0x1;
	s8 =	sadd.s32 s22, s6  }
0xa0: {  	[timem:s10], [sflag:s23] =	dma.local [hbm:s8], s21  }
0xa1: {  	_ =	swait.ge [sflag:s23], s21  }
0xa2: {  	s7 =	ssub.s32 $0x0, s21;
	[sflag:s23] =	ssyncset.done $0x0  }
0xa3: {  	[sflag:s23] =	ssyncadd.s32 s7;
	_ =	sdelay $0x1  }
0xa4: {  	s24 =	simm.s32 $0x1B8B  }
0xa5: {  	_ =	swait.ge [sflag:s24], $0x1  }
0xa6: {  	[sflag:s24] =	ssyncset.done $0x0  }
0xa7: {  	s25 =	simm.s32 $0x1B8E;
	[sflag:s24] =	ssyncadd.s32 $0xFFFFFFFF  }
0xa8: {  	s26 =	simm.s32 $execute0_lowered;
	[smem:$0x3FD2] =	sst s25  }
0xa9: {  	s7 =	sshll.u32 s26, $0x1;
	_ =	strace $0x80000046;
	[dreg:$0x1] =	wrdreg $0xFFFFFFFF  }
0xaa: {  	s28 =	simm.s32 $_size_execute0_lowered;
	s6 =	sadd.s32 s6, s7;
	[dreg:$0x0] =	wrdreg $0x0  }
0xab: {  	s7 =	sshll.u32 s28, $0x1;
	[dreg:$0x2] =	wrdreg s6  }
0xac: {  	[dreg:$0x3] =	wrdreg s7  }
0xad: {  	[dreg:$0x4] =	wrdreg $0xC0  }
0xae: {  	_ =	task [dreg:s10], $0x5FFFF  }
0xaf: {  	[dreg:$0x1] =	wrdreg $0xFFFFFFFF  }
0xb0: {  	[dreg:$0x0] =	wrdreg $0x60  }
0xb1: {  	[dreg:$0x2] =	wrdreg s2  }
0xb2: {  	[dreg:$0x3] =	wrdreg s19  }
0xb3: {  	[dreg:$0x4] =	wrdreg s4  }
0xb4: {  	[dreg:$0x5] =	wrdreg s5  }
0xb5: {  	[dreg:$0x6] =	wrdreg $0x0  }
0xb6: {  	[dreg:$0x7] =	wrdreg $0x7B180  }
0xb7: {  	[dreg:$0x8] =	wrdreg $0x9  }
0xb8: {  	_ =	task.clear_ibuf [dreg:s10], $0x9FFFF;
	_ =	strace $0x90000046  }
0xb9: {  	s29 =	simm.s32 $0x9;
	_ =	strace $0x80000048  }
0xba: {  	_ =	swait.ge [sflag:s29], $0x1  }
0xbb: {  	[sflag:s29] =	ssyncadd.s32 $0xFFFFFFFF  }
0xbc: {  	_ =	strace $0x90000048  }
0xbd: {  	_ =	sfence  }
0xbe: {  	s30 =	sld [smem:$0x0];
	_ =	sdelay $0x2  }
0xbf: {  	s31 =	sshll.u32 s1, $0xD;
	s1 =	sshrl.u32 s1, $0x2  }
0xc0: {  	s3 =	sand.u32 $0x4000, s31;
	s1 =	sadd.s32 s1, s30  }
0xc1: {  	s0 =	sor.u32 s3, s0;
	s1 =	sshll.u32 s1, $0x11  }
0xc2: {  	s0 =	sor.u32 s1, s0  }
0xc3: {  	s0 =	sadd.s32 $0x8F2B, s0  }
0xc4: {  	[sflag:s0] =	ssyncadd.remote.s32 $0x1  }
0xc5: {  	_ =	sfence.sel $0xFFFF  }
0xc6: {  	[dreg:$0x0] =	wrdreg $0xFFFFFFFF;
	(pc) =	sbr.abs _section_cstart, $3  }
0xc7: {  	[dreg:$0x1] =	wrdreg $0xFFFFFFFF  }
0xc8: {  	_ =	task.clear_ibuf [dreg:s10], $0x2FFFF;
	_ =	strace $0x9FFFFFFF  }
0xc9: {  	(tm) =	ssettm $0x7FFFFFFF  }
tec
execute0_lowered:
.L_overlay_start_1:
0x0: {  	(tag) =	ssettag $0x1  }
0x1: {  	s0 =	rddreg [dreg:$0x0]  }
0x2: {  	s2 =	rddreg [dreg:$0x1]  }
0x3: {  	s3 =	rddreg [dreg:$0x2]  }
0x4: {  	s4 =	rddreg [dreg:$0x3]  }
0x5: {  	s5 =	rddreg [dreg:$0x4]  }
0x6: {  	s13 =	rddreg [dreg:$0x5];
	s1 =	srdreg.scid  }
0x7: {  	s7 =	simm.s32 $0x0;
	s8 =	stileid.u32;
	s16 =	simm.s32 $0xBB20  }
0x8: {  	s17 =	simm.s32 $0x3;
	s18 =	simm.s32 $0x1000;
	s19 =	simm.s32 $0x1  }
0x9: {  	s20 =	simm.s32 $0x8B20;
	s21 =	simm.s32 $0x9B20;
	s22 =	simm.s32 $0x2  }
0xa: {  	s28 =	simm.s32 $0xBF20;
	s29 =	simm.s32 $0xC320;
	s30 =	simm.s32 $0x1A320  }
0xb: {  	s1 =	sand.u32 $0x1, s1;
	[smem:$0x7FF] =	sst s7;
	s23 =	sshll.u32 s8, $0x8  }
0xc: {  	s10 =	ssub.s32 $0x4F1, s8;
	s11 =	smul.u32 $0x640, s8;
	s24 =	ssub.s32 $0x109, s8  }
0xd: {  	s25 =	sshll.u32 s8, $0x3;
	s6 =	ssub.s32 $0x2, s1;
	_ =	strace $0x80000047  }
0xe: {  	s10 =	sshrl.u32 s10, $0x4;
	s12 =	sshrl.u32 s24, $0x4;
	s9 =	sshrl.u32 s6, $0x1  }
0xf: {  	s13 =	sadd.s32 s25, s13;
	s11 =	sshrl.u32 s11, $0x2;
	s6 =	ssub.s32 s6, s9  }
0x10: {  	v1 =	vimm.s32 $0xFFFFFFFF;
	s9 =	smul.u32 $0x7A120, s1;
	s1 =	sadd.s32 s23, s5;
	s31 =	sadd.s32 s11, s5  }
0x11: {  	v2 =	vlaneseq.u32;
	v3 =	vimm.s32 $0x0;
	vm0 =	vcmask $0x300;
	s24 =	simm.s32 $0x1DB20;
	s1 =	sadd.s32 $0x7A120, s1;
	[dreg:$0x9] =	wrdreg s31  }
0x12: {  	v8 =	vimm.f32 $0.0e+00;
	v4 =	vor.u32 $0x190, v2;
	v5 =	vor.u32 $0x1A0, v2;
	s25 =	simm.s32 $0x1C0;
	s26 =	smax.u32 s6, $0x1;
	[dreg:$0x7] =	wrdreg s1  }
0x13: {  	v6 =	vor.u32 $0x1B0, v2;
	v7 =	vmul.u32 $0x20, v2;
	s6 =	simm.s32 $0x0;
	[dreg:$0x8] =	wrdreg s26;
	v0 =	vmov s9;
	s26 =	simm.s32 $0xBD20  }
.LBB2_1:
0x14: {  	[tilespmem:$0xBB20] =	vst v1  }
0x15: {  	[tilespmem:$0xBB30] =	vst v1  }
0x16: {  	[tilespmem:$0xBB40] =	vst v1  }
0x17: {  	[tilespmem:$0xBB50] =	vst v1  }
0x18: {  	[tilespmem:$0xBB60] =	vst v1  }
0x19: {  	[tilespmem:$0xBB70] =	vst v1  }
0x1a: {  	[tilespmem:$0xBB80] =	vst v1  }
0x1b: {  	[tilespmem:$0xBB90] =	vst v1  }
0x1c: {  	[tilespmem:$0xBBA0] =	vst v1  }
0x1d: {  	[tilespmem:$0xBBB0] =	vst v1  }
0x1e: {  	[tilespmem:$0xBBC0] =	vst v1  }
0x1f: {  	[tilespmem:$0xBBD0] =	vst v1  }
0x20: {  	[tilespmem:$0xBBE0] =	vst v1  }
0x21: {  	[tilespmem:$0xBBF0] =	vst v1  }
0x22: {  	[tilespmem:$0xBC00] =	vst v1  }
0x23: {  	[tilespmem:$0xBC10] =	vst v1  }
0x24: {  	[tilespmem:$0xBC20] =	vst v1  }
0x25: {  	[tilespmem:$0xBC30] =	vst v1  }
0x26: {  	[tilespmem:$0xBC40] =	vst v1  }
0x27: {  	[tilespmem:$0xBC50] =	vst v1  }
0x28: {  	[tilespmem:$0xBC60] =	vst v1  }
0x29: {  	[tilespmem:$0xBC70] =	vst v1  }
0x2a: {  	[tilespmem:$0xBC80] =	vst v1;
	p0 =	sne.s32 s10, $0x1  }
.Ltmp0:
0x2b: {  	[dreg:$0xa] =	wrdreg s6;
	[tilespmem:$0xBC90] =	vst v1;
	(pc) =	sbr.rel @!p0 .LBB2_3-.Ltmp0, $4  }
0x2c: {  	[tilespmem:$0xBCA0] =	vst v1;
	s6 =	rddreg [dreg:$0x9]  }
0x2d: {  	[spmem:s6] =	stream.linear.scatter [tilespmem:s16], [sflag:$0x3], $0x190, $0x38;
	[tilespmem:$0x1DC20] =	vst v63  }
0x2e: {  	_ =	swait.ge [sflag:s17], $0x190  }
0x2f: {  	s1 =	sadd.s32 $0xFFFFFFFF, s10;
	[sflag:s17] =	ssyncset.done $0x0  }
.LBB2_2:
0x30: {  	p0 =	sne.s32 s1, $0x1;
	[sflag:s17] =	ssyncadd.s32 $0xFFFFFE70;
	s6 =	sadd.s32 $0x1900, s6  }
.Ltmp1:
0x31: {  	s1 =	sadd.s32 $0xFFFFFFFF, s1;
	(pc) =	sbr.rel @p0 .LBB2_2-.Ltmp1, $4  }
0x32: {  	_ = 	snop  }
0x33: {  	[spmem:s6] =	stream.linear.scatter [tilespmem:s16], [sflag:$0x3], $0x190, $0x38;
	[tilespmem:$0x1DC20] =	vst v63  }
0x34: {  	_ =	swait.ge [sflag:s17], $0x190  }
0x35: {  	[sflag:s17] =	ssyncset.done $0x0  }
.LBB2_3:
0x36: {  	[sflag:s17] =	ssyncadd.s32 $0xFFFFFE70;
	s1 =	rddreg [dreg:$0x7]  }
0x37: {  	[spmem:s1] =	stream.linear.scatter [tilespmem:s16], [sflag:$0x3], $0x100, $0x38;
	[tilespmem:$0x1DC20] =	vst v63  }
.Ltmp2:
0x38: {  	_ =	swait.ge [sflag:s17], $0x100;
	(pc) =	sbr.rel .LBB2_4-.Ltmp2, $4  }
0x39: {  	[sflag:s17] =	ssyncset.done $0x0  }
0x3a: {  	[sflag:s17] =	ssyncadd.s32 $0xFFFFFF00  }
0x3b: {  	[bflag:$0x0] =	sbarrier.arrive $0xFFFF  }
0x3c: {  	s11 =	simm.s32 $0x0;
	s6 =	simm.s32 $0x1  }
.LBB2_12:
0x3d: {  	s11 =	sadd.s32 $0x1, s11  }
0x3e: {  	p0 =	sne.s32 s11, $0x10  }
.Ltmp3:
0x3f: {  	_ = 	snop;
	(pc) =	sbr.rel @!p0 .LBB2_13-.Ltmp3, $2  }
0x40: {  	_ =	sdelay $0x2  }
0x41: {  	s1 =	simm.s32 $0x0  }
.LBB2_4:
0x42: {  	p0 =	slt.s32 s6, $0x1  }
.Ltmp4:
0x43: {  	_ = 	snop;
	(pc) =	sbr.rel @p0 .LBB2_10-.Ltmp4, $2  }
0x44: {  	_ =	sdelay $0x2  }
0x45: {  	v9 =	vimm.s32 $0x0;
	s1 =	simm.s32 $0x0  }
.LBB2_5:
0x46: {  	s6 =	sshll.u32 s1, $0x4  }
0x47: {  	s6 =	sor.u32 s8, s6  }
0x48: {  	s14 =	smul.u32 $0xFA0, s6;
	_ =	sdelay $0x1  }
0x49: {  	s6 =	sshrl.u32 s14, $0x3  }
0x4a: {  	s15 =	simm.s32 $0x0;
	s23 =	simm.s32 $0x7B20;
	s6 =	sadd.s32 s3, s6  }
0x4b: {  	[tilespmem:s23], [sflag:$0x3] =	stream.linear.gather [hbm4b:s6+s15], $0xFA0, $0x38;
	[tilespmem:$0x1DC20] =	vst v63  }
0x4c: {  	_ =	swait.ge [sflag:s17], $0xFA0  }
0x4d: {  	[sflag:s17] =	ssyncset.done $0x0  }
0x4e: {  	[sflag:s17] =	ssyncadd.s32 $0xFFFFF060  }
0x4f: {  	v10 =	vld [tilespmem:s23+$0x0];
	_ =	sdelay $0x3  }
0x50: {  	v11 =	vor.u32 s14, v2  }
0x51: {  	v12 =	vmov s15;
	v13 =	vadd.s32 s15, v11;
	v10 =	vsub.s32 v10, v0  }
0x52: {  	vm2 =	vlt.u32 v12, $0xFA0;
	v12 =	vand.u32 $0xFFF, v13;
	vm1 =	vlt.u32 v10, $0x7A120  }
0x53: {  	v12 =	vadd.s32 $0x7A120, v12;
	vm1 =	vmand vm2, vm1  }
0x54: {  	s6 =	simm.s32 $0x8B20;
	v10 =	vsel vm1, v10, v12  }
0x55: {  	s15 =	simm.s32 $0x7B30;
	[tilespmem:s6+$0x0] =	vst v10  }
0x56: {  	s23 =	simm.s32 $0x20;
	v10 =	vmov s14;
	s14 =	simm.s32 $0x10;
	v12 =	vld [tilespmem:s15+$0x0]  }
.LBB2_6:
0x57: {  	p1 =	sne.s32 s23, $0xFF0;
	_ =	sdelay $0x3  }
0x58: {  	v13 =	vmov s14;
	v14 =	vadd.s32 s14, v11;
	s14 =	smov.u32 s23;
	v12 =	vsub.s32 v12, v0  }
.Ltmp5:
0x59: {  	vm2 =	vlt.u32 v13, $0xFA0;
	v13 =	vand.u32 $0xFFF, v14;
	vm1 =	vlt.u32 v12, $0x7A120;
	(pc) =	sbr.rel @p1 .LBB2_6-.Ltmp5, $4  }
0x5a: {  	v13 =	vadd.s32 $0x7A120, v13;
	vm1 =	vmand vm2, vm1  }
0x5b: {  	s6 =	sadd.s32 $0x10, s6;
	v12 =	vsel vm1, v12, v13  }
0x5c: {  	s15 =	sadd.s32 $0x10, s15;
	[tilespmem:s6+$0x0] =	vst v12  }
0x5d: {  	s23 =	sadd.s32 $0x10, s23;
	v12 =	vld [tilespmem:s15+$0x0]  }
0x5e: {  	_ =	sdelay $0x3  }
0x5f: {  	v13 =	vmov s14;
	v11 =	vadd.s32 s14, v11;
	v12 =	vsub.s32 v12, v0  }
0x60: {  	vm2 =	vlt.u32 v13, $0xFA0;
	v11 =	vand.u32 $0xFFF, v11;
	vm1 =	vlt.u32 v12, $0x7A120  }
0x61: {  	v11 =	vadd.s32 $0x7A120, v11;
	vm1 =	vmand vm2, vm1  }
0x62: {  	s6 =	sadd.s32 $0x10, s6;
	v11 =	vsel vm1, v12, v11  }
0x63: {  	s14 =	simm.s32 $0x8B20;
	s15 =	simm.s32 $0xAB20;
	[tilespmem:s6+$0x0] =	vst v11  }
0x64: {  	[tilespmem:s15], [sflag:$0x1] =	stream.indirect.gather [spmem:s5], $0x1, s14, s18, $0xb8;
	[tilespmem:$0x1DC20] =	vst v63  }
0x65: {  	_ =	swait.ge [sflag:s19], $0x1000  }
0x66: {  	[sflag:s19] =	ssyncset.done $0x0  }
0x67: {  	[sflag:s19] =	ssyncadd.s32 $0xFFFFF000  }
0x68: {  	v11 =	vld [tilespmem:s14+$0x0]  }
0x69: {  	v12 =	vld [tilespmem:s15+$0x0];
	_ =	sdelay $0x1  }
0x6a: {  	s23 =	simm.s32 $0x0  }
0x6b: {  	v13 =	vadd.s32 s23, v10  }
0x6c: {  	v13 =	vadd.s32 v2, v13  }
0x6d: {  	vm1 =	vlt.s32 v11, $0x7A120;
	vm2 =	vlt.s32 v12, v13;
	v12 =	vand.u32 $0xFFF, v13  }
0x6e: {  	vm1 =	vmand vm1, vm2;
	v12 =	vadd.s32 $0x7A120, v12  }
0x6f: {  	v11 =	vsel vm1, v11, v12  }
0x70: {  	s6 =	simm.s32 $0x9B20;
	[tilespmem:s14+$0x0] =	vst v11  }
0x71: {  	s14 =	simm.s32 $0x8B30;
	[tilespmem:s6+$0x0] =	vst v13  }
0x72: {  	s15 =	simm.s32 $0xAB30;
	v12 =	vsel vm1, $0x1, v3;
	v11 =	vld [tilespmem:s14+$0x0]  }
0x73: {  	v9 =	vadd.s32 v12, v9;
	v12 =	vld [tilespmem:s15+$0x0]  }
0x74: {  	s31 =	simm.s32 $0x10;
	s23 =	simm.s32 $0x20  }
.LBB2_8:
0x75: {  	p1 =	sne.s32 s23, $0xFF0  }
0x76: {  	v13 =	vadd.s32 s31, v10;
	s31 =	smov.u32 s23  }
0x77: {  	v13 =	vadd.s32 v2, v13  }
0x78: {  	vm1 =	vlt.s32 v11, $0x7A120;
	vm2 =	vlt.s32 v12, v13;
	v12 =	vand.u32 $0xFFF, v13  }
0x79: {  	vm1 =	vmand vm1, vm2;
	v12 =	vadd.s32 $0x7A120, v12  }
0x7a: {  	v11 =	vsel vm1, v11, v12;
	v12 =	vsel vm1, $0x1, v3  }
.Ltmp6:
0x7b: {  	s6 =	sadd.s32 $0x10, s6;
	[tilespmem:s14+$0x0] =	vst v11;
	v9 =	vadd.s32 v12, v9;
	(pc) =	sbr.rel @p1 .LBB2_8-.Ltmp6, $4  }
0x7c: {  	s14 =	sadd.s32 $0x10, s14;
	[tilespmem:s6+$0x0] =	vst v13  }
0x7d: {  	s15 =	sadd.s32 $0x10, s15;
	v11 =	vld [tilespmem:s14+$0x0]  }
0x7e: {  	v12 =	vld [tilespmem:s15+$0x0]  }
0x7f: {  	s23 =	sadd.s32 $0x10, s23  }
0x80: {  	_ = 	snop  }
0x81: {  	v10 =	vadd.s32 s31, v10  }
0x82: {  	v10 =	vadd.s32 v2, v10  }
0x83: {  	vm1 =	vlt.s32 v11, $0x7A120;
	v63 =	vand.u32 $0xFFF, v10;
	vm2 =	vlt.s32 v12, v10  }
0x84: {  	v12 =	vadd.s32 $0x7A120, v63;
	vm1 =	vmand vm1, vm2  }
0x85: {  	s1 =	sadd.s32 $0x1, s1;
	v11 =	vsel vm1, v11, v12  }
0x86: {  	s6 =	sadd.s32 $0x10, s6;
	p1 =	sgt.u32 s12, s1;
	[tilespmem:s14+$0x0] =	vst v11  }
.Ltmp7:
0x87: {  	[tilespmem:s6+$0x0] =	vst v10;
	(pc) =	sbr.rel @p1 .LBB2_5-.Ltmp7, $4  }
0x88: {  	[spmem:s5] =	stream.indirect.scatter [tilespmem:s21], [sflag:$0x2], $0x1, s20, s18, $0xb8;
	[tilespmem:$0x1DC20] =	vst v63  }
0x89: {  	_ =	swait.ge [sflag:s22], $0x1000  }
0x8a: {  	v10 =	vsel vm1, $0x1, v3;
	[sflag:s22] =	ssyncset.done $0x0  }
0x8b: {  	v9 =	vadd.s32 v10, v9;
	[sflag:s22] =	ssyncadd.s32 $0xFFFFF000  }
.LBB2_10:
0x8c: {  	(v2sf) =	vpush v9, $0x0  }
0x8d: {  	(v2sf) =	vpush v9, $0x1  }
0x8e: {  	(v2sf) =	vpush v9, $0x2  }
0x8f: {  	(v2sf) =	vpush v9, $0x3  }
0x90: {  	(v2sf) =	vpush v9, $0x4  }
0x91: {  	(v2sf) =	vpush v9, $0x5  }
0x92: {  	(v2sf) =	vpush v9, $0x6  }
0x93: {  	(v2sf) =	vpush v9, $0x7  }
0x94: {  	(v2sf) =	vpush v9, $0x8  }
0x95: {  	(v2sf) =	vpush v9, $0x9  }
0x96: {  	(v2sf) =	vpush v9, $0xA  }
0x97: {  	(v2sf) =	vpush v9, $0xB  }
0x98: {  	(v2sf) =	vpush v9, $0xC  }
0x99: {  	(v2sf) =	vpush v9, $0xD  }
0x9a: {  	(v2sf) =	vpush v9, $0xE  }
0x9b: {  	s1 =	spop (v2sf);
	(v2sf) =	vpush v9, $0xF  }
0x9c: {  	s6 =	spop (v2sf)  }
0x9d: {  	s1 =	sadd.s32 s6, s1;
	s23 =	spop (v2sf)  }
0x9e: {  	s1 =	sadd.s32 s23, s1;
	s31 =	spop (v2sf)  }
0x9f: {  	s1 =	sadd.s32 s31, s1;
	s14 =	spop (v2sf)  }
0xa0: {  	s1 =	sadd.s32 s14, s1;
	s15 =	spop (v2sf)  }
0xa1: {  	s1 =	sadd.s32 s15, s1;
	s23 =	spop (v2sf)  }
0xa2: {  	s1 =	sadd.s32 s23, s1;
	s31 =	spop (v2sf)  }
0xa3: {  	s1 =	sadd.s32 s31, s1;
	s14 =	spop (v2sf)  }
0xa4: {  	s1 =	sadd.s32 s14, s1;
	s15 =	spop (v2sf)  }
0xa5: {  	s1 =	sadd.s32 s15, s1;
	s23 =	spop (v2sf)  }
0xa6: {  	s1 =	sadd.s32 s23, s1;
	s31 =	spop (v2sf)  }
.Ltmp8:
0xa7: {  	s1 =	sadd.s32 s31, s1;
	s14 =	spop (v2sf);
	(pc) =	sbr.rel @p0 .LBB2_12-.Ltmp8, $4  }
0xa8: {  	s1 =	sadd.s32 s14, s1;
	s15 =	spop (v2sf)  }
0xa9: {  	s1 =	sadd.s32 s15, s1;
	s23 =	spop (v2sf)  }
0xaa: {  	s1 =	sadd.s32 s23, s1;
	s31 =	spop (v2sf)  }
0xab: {  	s6 =	sadd.s32 s31, s1  }
0xac: {  	v9 =	vmov s6  }
0xad: {  	v9 =	vnsel vm0, $0x0, v9  }
0xae: {  	s1 =	simm.s32 $0x1DBA0;
	[tilespmem:$0x1DBA0] =	vst v9  }
0xaf: {  	[spmem:s13] =	stream.linear.scatter [tilespmem:s1], [sflag:$0x3], $0x8, $0x38;
	[tilespmem:$0x1DC20] =	vst v63  }
0xb0: {  	_ =	swait.ge [sflag:s17], $0x8  }
0xb1: {  	[sflag:s17] =	ssyncset.done $0x0  }
0xb2: {  	[sflag:s17] =	ssyncadd.s32 $0xFFFFFFF8  }
0xb3: {  	[bflag:$0x0] =	sbarrier.arrive $0xFFFF  }
0xb4: {  	s6 =	rddreg [dreg:$0x5]  }
0xb5: {  	[tilespmem:s24], [sflag:$0x3] =	stream.linear.gather [spmem:s6], $0x80, $0x38;
	[tilespmem:$0x1DC20] =	vst v63  }
0xb6: {  	_ =	swait.ge [sflag:s17], $0x80  }
0xb7: {  	[sflag:s17] =	ssyncset.done $0x0  }
0xb8: {  	[sflag:s17] =	ssyncadd.s32 $0xFFFFFF80  }
0xb9: {  	v9 =	vld [tilespmem:$0x1DB20];
	_ =	sdelay $0x1  }
0xba: {  	v10 =	vld [tilespmem:$0x1DB30];
	_ =	sdelay $0x1  }
0xbb: {  	v11 =	vld [tilespmem:$0x1DB40]  }
0xbc: {  	(v2sf) =	vpush v9, $0x0  }
0xbd: {  	(v2sf) =	vpush v9, $0x8;
	v9 =	vld [tilespmem:$0x1DB50]  }
0xbe: {  	(v2sf) =	vpush v10, $0x0  }
0xbf: {  	(v2sf) =	vpush v10, $0x8;
	v10 =	vld [tilespmem:$0x1DB60]  }
0xc0: {  	(v2sf) =	vpush v11, $0x0  }
0xc1: {  	(v2sf) =	vpush v11, $0x8;
	v11 =	vld [tilespmem:$0x1DB70]  }
0xc2: {  	(v2sf) =	vpush v9, $0x0  }
0xc3: {  	(v2sf) =	vpush v9, $0x8;
	v9 =	vld [tilespmem:$0x1DB80]  }
0xc4: {  	(v2sf) =	vpush v10, $0x0  }
0xc5: {  	(v2sf) =	vpush v10, $0x8;
	v10 =	vld [tilespmem:$0x1DB90]  }
0xc6: {  	(v2sf) =	vpush v11, $0x0  }
0xc7: {  	(v2sf) =	vpush v11, $0x8  }
0xc8: {  	(v2sf) =	vpush v9, $0x0  }
0xc9: {  	(v2sf) =	vpush v9, $0x8  }
0xca: {  	(v2sf) =	vpush v10, $0x0  }
0xcb: {  	s14 =	spop (v2sf);
	(v2sf) =	vpush v10, $0x8  }
0xcc: {  	s15 =	spop (v2sf)  }
0xcd: {  	s23 =	spop (v2sf)  }
0xce: {  	s1 =	sadd.s32 s15, s14;
	s31 =	spop (v2sf)  }
0xcf: {  	s1 =	sadd.s32 s23, s1;
	s14 =	spop (v2sf)  }
0xd0: {  	s1 =	sadd.s32 s31, s1;
	s15 =	spop (v2sf)  }
0xd1: {  	s1 =	sadd.s32 s14, s1;
	s23 =	spop (v2sf)  }
0xd2: {  	s1 =	sadd.s32 s15, s1;
	s31 =	spop (v2sf)  }
0xd3: {  	s1 =	sadd.s32 s23, s1;
	s14 =	spop (v2sf)  }
0xd4: {  	s1 =	sadd.s32 s31, s1;
	s15 =	spop (v2sf)  }
0xd5: {  	s1 =	sadd.s32 s14, s1;
	s23 =	spop (v2sf)  }
0xd6: {  	s1 =	sadd.s32 s15, s1;
	s31 =	spop (v2sf)  }
0xd7: {  	s1 =	sadd.s32 s23, s1;
	s14 =	spop (v2sf)  }
.Ltmp9:
0xd8: {  	s1 =	sadd.s32 s31, s1;
	s15 =	spop (v2sf);
	(pc) =	sbr.rel .LBB2_12-.Ltmp9, $4  }
0xd9: {  	s1 =	sadd.s32 s14, s1;
	s23 =	spop (v2sf)  }
0xda: {  	s1 =	sadd.s32 s15, s1;
	s31 =	spop (v2sf)  }
0xdb: {  	s1 =	sadd.s32 s23, s1;
	[bflag:$0x0] =	sbarrier.arrive $0xFFFF  }
0xdc: {  	s6 =	sadd.s32 s31, s1  }
.LBB2_13:
0xdd: {  	s11 =	simm.s32 $0x0  }
.LBB2_14:
0xde: {  	s6 =	sshll.u32 s11, $0x4  }
0xdf: {  	s6 =	sor.u32 s8, s6  }
0xe0: {  	s14 =	smul.u32 $0x190, s6;
	_ =	sdelay $0x1  }
0xe1: {  	s15 =	simm.s32 $0xBB20;
	s6 =	sadd.s32 s14, s5  }
0xe2: {  	[tilespmem:s15], [sflag:$0x3] =	stream.linear.gather [spmem:s6], $0x190, $0x38;
	[tilespmem:$0x1DC20] =	vst v63  }
0xe3: {  	_ =	swait.ge [sflag:s17], $0x190  }
0xe4: {  	[sflag:s17] =	ssyncset.done $0x0  }
0xe5: {  	[sflag:s17] =	ssyncadd.s32 $0xFFFFFE70  }
0xe6: {  	v11 =	vld [tilespmem:s15+$0x0];
	_ =	sdelay $0x2  }
0xe7: {  	v10 =	vor.u32 s14, v2  }
0xe8: {  	v12 =	vadd.s32 s1, v10  }
0xe9: {  	v12 =	vand.u32 $0x7FFFF, v12;
	vm1 =	vlt.s32 v11, $0x0  }
0xea: {  	s6 =	simm.s32 $0xBD20;
	v11 =	vsel vm1, v12, v11  }
0xeb: {  	s15 =	simm.s32 $0xBB30;
	[tilespmem:s6+$0x0] =	vst v11  }
0xec: {  	s23 =	simm.s32 $0x10;
	s31 =	simm.s32 $0x20;
	v9 =	vmov s14;
	v11 =	vld [tilespmem:s15+$0x0]  }
.LBB2_15:
0xed: {  	p0 =	seq.s32 s31, $0x180;
	_ =	sdelay $0x2  }
.Ltmp10:
0xee: {  	v12 =	vadd.s32 s23, v10;
	s23 =	smov.u32 s31;
	(pc) =	sbr.rel @!p0 .LBB2_15-.Ltmp10, $4  }
0xef: {  	v12 =	vand.u32 $0x7FFFF, v12;
	vm1 =	vlt.s32 v11, $0x0  }
0xf0: {  	s6 =	sadd.s32 $0x10, s6;
	v11 =	vsel vm1, v12, v11  }
0xf1: {  	s15 =	sadd.s32 $0x10, s15;
	[tilespmem:s6+$0x0] =	vst v11  }
0xf2: {  	s31 =	sadd.s32 $0x10, s31;
	v11 =	vld [tilespmem:s15+$0x0]  }
0xf3: {  	_ =	sdelay $0x2  }
0xf4: {  	v10 =	vadd.s32 s23, v10  }
0xf5: {  	v10 =	vand.u32 $0x7FFFF, v10;
	vm1 =	vlt.s32 v11, $0x0  }
0xf6: {  	s6 =	sadd.s32 $0x10, s6;
	v10 =	vsel vm1, v10, v11  }
0xf7: {  	[tilespmem:s6+$0x0] =	vst v10;
	v10 =	vadd.s32 v4, v9  }
0xf8: {  	v11 =	vadd.s32 v5, v9;
	v9 =	vadd.s32 v6, v9;
	v10 =	vand.u32 $0x7FFFF, v10  }
0xf9: {  	v9 =	vand.u32 $0x7FFFF, v9;
	[tilespmem:$0xBEB0] =	vst v10  }
0xfa: {  	v10 =	vand.u32 $0x7FFFF, v11;
	[tilespmem:$0xBED0] =	vst v9  }
0xfb: {  	[tilespmem:$0xBEC0] =	vst v10  }
0xfc: {  	[tilespmem:s28], [sflag:$0x1] =	stream.indirect.gather [hbm4b:s2+s25], $0x1, s26, s25, $0xb8;
	[tilespmem:$0x1DC20] =	vst v63  }
0xfd: {  	_ =	swait.ge [sflag:s19], $0x1C0  }
0xfe: {  	[sflag:s19] =	ssyncset.done $0x0  }
0xff: {  	s6 =	simm.s32 $0x0;
	[sflag:s19] =	ssyncadd.s32 $0xFFFFFE40  }
0x100: {  	v9 =	vld [tilespmem:s6+$0xBF20]  }
0x101: {  	s15 =	simm.s32 $0x40  }
.LBB2_17:
0x102: {  	p0 =	sne.s32 s15, $0x6C0  }
.Ltmp11:
0x103: {  	_ = 	snop;
	(pc) =	sbr.rel @p0 .LBB2_17-.Ltmp11, $4  }
0x104: {  	_ = 	snop  }
0x105: {  	s23 =	sshra.s32 s15, $0x2;
	s15 =	sadd.s32 $0x40, s15;
	v10 =	vshrl.u32 v9, $0x2;
	v11 =	vand.u32 $0x3, v9  }
0x106: {  	v9 =	vld [tilespmem:s23+$0xBF20];
	[tilespmem:s6+$0xC120] =	vst v11  }
0x107: {  	[tilespmem:s6+$0xBD20] =	vst v10;
	s6 =	smov.u32 s23  }
0x108: {  	_ =	sdelay $0x2  }
0x109: {  	v10 =	vand.u32 $0x3, v9  }
0x10a: {  	v9 =	vshrl.u32 v9, $0x2;
	[tilespmem:s6+$0xC120] =	vst v10  }
0x10b: {  	[tilespmem:s6+$0xBD20] =	vst v9  }
0x10c: {  	[tilespmem:s29], [sflag:$0x1] =	stream.indirect.gather [hbm4b:s0+s25], $0x80, s26, s25, $0xb8;
	[tilespmem:$0x1DC20] =	vst v63  }
0x10d: {  	_ =	swait.ge [sflag:s19], $0xE000  }
0x10e: {  	s31 =	simm.s32 $0x0;
	[sflag:s19] =	ssyncset.done $0x0  }
0x10f: {  	s15 =	simm.s32 $0xC120;
	s6 =	simm.s32 $0x0;
	[sflag:s19] =	ssyncadd.s32 $0xFFFF2000  }
.LBB2_19:
0x110: {  	v9 =	vld [tilespmem:s15+$0x0];
	_ =	sdelay $0x4  }
0x111: {  	v10 =	vor.u32 s6, v2;
	v9 =	vshll.u32 v9, $0x5  }
0x112: {  	v12 =	vshll.u32 v10, $0x7;
	v11 =	vand.u32 $0xFFFFFF80, v9  }
0x113: {  	v9 =	vand.u32 $0x60, v9;
	v11 =	vadd.s32 v12, v11  }
0x114: {  	v9 =	vor.u32 v9, v11;
	_ =	sdelay $0x4  }
0x115: {  	v10 =	vshll.u32 v10, $0x5;
	v11 =	vld.idx.msk [tilespmem:v9+s29+$0x0], $0xffff  }
0x116: {  	v53 =	vor.u32 $0x1, v9;
	_ =	sdelay $0x3  }
0x117: {  	[tilespmem:v10+s30+$0x0] =	vst.idx.msk $0xffff, v11  }
0x118: {  	v54 =	vor.u32 $0x1, v10;
	v11 =	vld.idx.msk [tilespmem:v53+s29+$0x0], $0xffff  }
0x119: {  	v13 =	vor.u32 $0x2, v9;
	_ =	sdelay $0x3  }
0x11a: {  	[tilespmem:v54+s30+$0x0] =	vst.idx.msk $0xffff, v11  }
0x11b: {  	v55 =	vor.u32 $0x2, v10;
	v11 =	vld.idx.msk [tilespmem:v13+s29+$0x0], $0xffff  }
0x11c: {  	v56 =	vor.u32 $0x3, v9;
	_ =	sdelay $0x3  }
0x11d: {  	[tilespmem:v55+s30+$0x0] =	vst.idx.msk $0xffff, v11  }
0x11e: {  	v57 =	vor.u32 $0x3, v10;
	v11 =	vld.idx.msk [tilespmem:v56+s29+$0x0], $0xffff  }
0x11f: {  	v58 =	vor.u32 $0x4, v9;
	_ =	sdelay $0x3  }
0x120: {  	[tilespmem:v57+s30+$0x0] =	vst.idx.msk $0xffff, v11  }
0x121: {  	v59 =	vor.u32 $0x4, v10;
	v11 =	vld.idx.msk [tilespmem:v58+s29+$0x0], $0xffff  }
0x122: {  	v60 =	vor.u32 $0x5, v9;
	_ =	sdelay $0x3  }
0x123: {  	[tilespmem:v59+s30+$0x0] =	vst.idx.msk $0xffff, v11  }
0x124: {  	v61 =	vor.u32 $0x5, v10;
	v11 =	vld.idx.msk [tilespmem:v60+s29+$0x0], $0xffff  }
0x125: {  	v62 =	vor.u32 $0x6, v9;
	_ =	sdelay $0x3  }
0x126: {  	[tilespmem:v61+s30+$0x0] =	vst.idx.msk $0xffff, v11  }
0x127: {  	v63 =	vor.u32 $0x6, v10;
	v11 =	vld.idx.msk [tilespmem:v62+s29+$0x0], $0xffff  }
0x128: {  	v16 =	vor.u32 $0x7, v9;
	_ =	sdelay $0x3  }
0x129: {  	[tilespmem:v63+s30+$0x0] =	vst.idx.msk $0xffff, v11  }
0x12a: {  	v17 =	vor.u32 $0x7, v10;
	v11 =	vld.idx.msk [tilespmem:v16+s29+$0x0], $0xffff  }
0x12b: {  	v18 =	vor.u32 $0x8, v9;
	_ =	sdelay $0x3  }
0x12c: {  	[tilespmem:v17+s30+$0x0] =	vst.idx.msk $0xffff, v11  }
0x12d: {  	v19 =	vor.u32 $0x8, v10;
	v11 =	vld.idx.msk [tilespmem:v18+s29+$0x0], $0xffff  }
0x12e: {  	v20 =	vor.u32 $0x9, v9;
	_ =	sdelay $0x3  }
0x12f: {  	[tilespmem:v19+s30+$0x0] =	vst.idx.msk $0xffff, v11  }
0x130: {  	v21 =	vor.u32 $0x9, v10;
	v11 =	vld.idx.msk [tilespmem:v20+s29+$0x0], $0xffff  }
0x131: {  	v22 =	vor.u32 $0xA, v9;
	_ =	sdelay $0x3  }
0x132: {  	[tilespmem:v21+s30+$0x0] =	vst.idx.msk $0xffff, v11  }
0x133: {  	v23 =	vor.u32 $0xA, v10;
	v11 =	vld.idx.msk [tilespmem:v22+s29+$0x0], $0xffff  }
0x134: {  	v24 =	vor.u32 $0xB, v9;
	_ =	sdelay $0x3  }
0x135: {  	[tilespmem:v23+s30+$0x0] =	vst.idx.msk $0xffff, v11  }
0x136: {  	v25 =	vor.u32 $0xB, v10;
	v11 =	vld.idx.msk [tilespmem:v24+s29+$0x0], $0xffff  }
0x137: {  	v26 =	vor.u32 $0xC, v9;
	_ =	sdelay $0x3  }
0x138: {  	[tilespmem:v25+s30+$0x0] =	vst.idx.msk $0xffff, v11  }
0x139: {  	v27 =	vor.u32 $0xC, v10;
	v11 =	vld.idx.msk [tilespmem:v26+s29+$0x0], $0xffff  }
0x13a: {  	v28 =	vor.u32 $0xD, v9;
	_ =	sdelay $0x3  }
0x13b: {  	[tilespmem:v27+s30+$0x0] =	vst.idx.msk $0xffff, v11  }
0x13c: {  	v29 =	vor.u32 $0xD, v10;
	v11 =	vld.idx.msk [tilespmem:v28+s29+$0x0], $0xffff  }
0x13d: {  	v30 =	vor.u32 $0xE, v9;
	_ =	sdelay $0x3  }
0x13e: {  	[tilespmem:v29+s30+$0x0] =	vst.idx.msk $0xffff, v11  }
0x13f: {  	v31 =	vor.u32 $0xE, v10;
	v11 =	vld.idx.msk [tilespmem:v30+s29+$0x0], $0xffff  }
0x140: {  	v32 =	vor.u32 $0xF, v9;
	_ =	sdelay $0x3  }
0x141: {  	[tilespmem:v31+s30+$0x0] =	vst.idx.msk $0xffff, v11  }
0x142: {  	v33 =	vor.u32 $0xF, v10;
	v11 =	vld.idx.msk [tilespmem:v32+s29+$0x0], $0xffff  }
0x143: {  	v34 =	vor.u32 $0x10, v9;
	_ =	sdelay $0x3  }
0x144: {  	[tilespmem:v33+s30+$0x0] =	vst.idx.msk $0xffff, v11  }
0x145: {  	v35 =	vor.u32 $0x10, v10;
	v11 =	vld.idx.msk [tilespmem:v34+s29+$0x0], $0xffff  }
0x146: {  	v36 =	vor.u32 $0x11, v9;
	_ =	sdelay $0x3  }
0x147: {  	[tilespmem:v35+s30+$0x0] =	vst.idx.msk $0xffff, v11  }
0x148: {  	v37 =	vor.u32 $0x11, v10;
	v11 =	vld.idx.msk [tilespmem:v36+s29+$0x0], $0xffff  }
0x149: {  	v38 =	vor.u32 $0x12, v9;
	_ =	sdelay $0x3  }
0x14a: {  	[tilespmem:v37+s30+$0x0] =	vst.idx.msk $0xffff, v11  }
0x14b: {  	v39 =	vor.u32 $0x12, v10;
	v11 =	vld.idx.msk [tilespmem:v38+s29+$0x0], $0xffff  }
0x14c: {  	v40 =	vor.u32 $0x13, v9;
	_ =	sdelay $0x3  }
0x14d: {  	[tilespmem:v39+s30+$0x0] =	vst.idx.msk $0xffff, v11  }
0x14e: {  	v41 =	vor.u32 $0x13, v10;
	v11 =	vld.idx.msk [tilespmem:v40+s29+$0x0], $0xffff  }
0x14f: {  	v42 =	vor.u32 $0x14, v9;
	_ =	sdelay $0x3  }
0x150: {  	[tilespmem:v41+s30+$0x0] =	vst.idx.msk $0xffff, v11  }
0x151: {  	v43 =	vor.u32 $0x14, v10;
	v11 =	vld.idx.msk [tilespmem:v42+s29+$0x0], $0xffff  }
0x152: {  	v44 =	vor.u32 $0x15, v9;
	_ =	sdelay $0x3  }
0x153: {  	[tilespmem:v43+s30+$0x0] =	vst.idx.msk $0xffff, v11  }
0x154: {  	v45 =	vor.u32 $0x15, v10;
	v11 =	vld.idx.msk [tilespmem:v44+s29+$0x0], $0xffff  }
0x155: {  	v46 =	vor.u32 $0x16, v9;
	_ =	sdelay $0x3  }
0x156: {  	[tilespmem:v45+s30+$0x0] =	vst.idx.msk $0xffff, v11  }
0x157: {  	v47 =	vor.u32 $0x16, v10;
	v11 =	vld.idx.msk [tilespmem:v46+s29+$0x0], $0xffff  }
0x158: {  	v48 =	vor.u32 $0x17, v9;
	_ =	sdelay $0x3  }
0x159: {  	[tilespmem:v47+s30+$0x0] =	vst.idx.msk $0xffff, v11  }
0x15a: {  	v49 =	vor.u32 $0x17, v10;
	v11 =	vld.idx.msk [tilespmem:v48+s29+$0x0], $0xffff  }
0x15b: {  	v50 =	vor.u32 $0x18, v9;
	_ =	sdelay $0x3  }
0x15c: {  	[tilespmem:v49+s30+$0x0] =	vst.idx.msk $0xffff, v11  }
0x15d: {  	v51 =	vor.u32 $0x18, v10;
	v11 =	vld.idx.msk [tilespmem:v50+s29+$0x0], $0xffff  }
0x15e: {  	v52 =	vor.u32 $0x19, v9;
	_ =	sdelay $0x3  }
0x15f: {  	[tilespmem:v51+s30+$0x0] =	vst.idx.msk $0xffff, v11  }
0x160: {  	v53 =	vor.u32 $0x19, v10;
	v11 =	vld.idx.msk [tilespmem:v52+s29+$0x0], $0xffff  }
0x161: {  	v54 =	vor.u32 $0x1A, v9;
	_ =	sdelay $0x3  }
0x162: {  	[tilespmem:v53+s30+$0x0] =	vst.idx.msk $0xffff, v11  }
0x163: {  	v55 =	vor.u32 $0x1A, v10;
	v11 =	vld.idx.msk [tilespmem:v54+s29+$0x0], $0xffff  }
0x164: {  	v56 =	vor.u32 $0x1B, v9;
	_ =	sdelay $0x3  }
0x165: {  	[tilespmem:v55+s30+$0x0] =	vst.idx.msk $0xffff, v11  }
0x166: {  	v57 =	vor.u32 $0x1B, v10;
	v11 =	vld.idx.msk [tilespmem:v56+s29+$0x0], $0xffff  }
0x167: {  	v58 =	vor.u32 $0x1C, v9;
	_ =	sdelay $0x3  }
0x168: {  	[tilespmem:v57+s30+$0x0] =	vst.idx.msk $0xffff, v11  }
0x169: {  	v59 =	vor.u32 $0x1C, v10;
	v11 =	vld.idx.msk [tilespmem:v58+s29+$0x0], $0xffff  }
0x16a: {  	v60 =	vor.u32 $0x1D, v9;
	_ =	sdelay $0x3  }
0x16b: {  	[tilespmem:v59+s30+$0x0] =	vst.idx.msk $0xffff, v11  }
0x16c: {  	v61 =	vor.u32 $0x1D, v10;
	v11 =	vld.idx.msk [tilespmem:v60+s29+$0x0], $0xffff  }
0x16d: {  	v62 =	vor.u32 $0x1E, v9;
	_ =	sdelay $0x3  }
0x16e: {  	[tilespmem:v61+s30+$0x0] =	vst.idx.msk $0xffff, v11  }
0x16f: {  	v63 =	vor.u32 $0x1E, v10;
	v11 =	vld.idx.msk [tilespmem:v62+s29+$0x0], $0xffff  }
0x170: {  	v9 =	vor.u32 $0x1F, v9;
	_ =	sdelay $0x3  }
0x171: {  	[tilespmem:v63+s30+$0x0] =	vst.idx.msk $0xffff, v11  }
0x172: {  	p0 =	sne.s32 s6, $0x180;
	v10 =	vor.u32 $0x1F, v10;
	v9 =	vld.idx.msk [tilespmem:v9+s29+$0x0], $0xffff  }
.Ltmp12:
0x173: {  	_ = 	snop;
	(pc) =	sbr.rel @p0 .LBB2_19-.Ltmp12, $2  }
0x174: {  	_ =	sdelay $0x2  }
0x175: {  	s15 =	sadd.s32 $0x10, s15;
	s6 =	sadd.s32 $0x10, s6;
	[tilespmem:v10+s30+$0x0] =	vst.idx.msk $0xffff, v9  }
0x176: {  	s15 =	simm.s32 $0xBB20  }
0x177: {  	v9 =	vld [tilespmem:s15+$0x0];
	_ =	sdelay $0x2  }
0x178: {  	v10 =	vmov s31  }
0x179: {  	v10 =	vshll.u32 v10, $0x5  }
0x17a: {  	vm1 =	vlt.s32 v9, $0x0;
	v9 =	vor.u32 v7, v10  }
0x17b: {  	v9 =	vnsel vm1, $0x37E0, v9  }
0x17c: {  	v10 =	vor.u32 $0x1, v9  }
0x17d: {  	v11 =	vor.u32 $0x2, v9  }
0x17e: {  	v12 =	vor.u32 $0x3, v9  }
0x17f: {  	v13 =	vor.u32 $0x4, v9  }
0x180: {  	v14 =	vor.u32 $0x5, v9;
	[tilespmem:v9+s30+$0x0] =	vst.idx.msk $0xffff, v8  }
0x181: {  	[tilespmem:v10+s30+$0x0] =	vst.idx.msk $0xffff, v8;
	v10 =	vor.u32 $0x6, v9  }
0x182: {  	[tilespmem:v11+s30+$0x0] =	vst.idx.msk $0xffff, v8;
	v11 =	vor.u32 $0x7, v9  }
0x183: {  	v49 =	vor.u32 $0x8, v9;
	[tilespmem:v12+s30+$0x0] =	vst.idx.msk $0xffff, v8  }
0x184: {  	v50 =	vor.u32 $0x9, v9;
	[tilespmem:v13+s30+$0x0] =	vst.idx.msk $0xffff, v8  }
0x185: {  	v51 =	vor.u32 $0xA, v9;
	[tilespmem:v14+s30+$0x0] =	vst.idx.msk $0xffff, v8  }
0x186: {  	[tilespmem:v10+s30+$0x0] =	vst.idx.msk $0xffff, v8;
	v10 =	vor.u32 $0xB, v9  }
0x187: {  	[tilespmem:v11+s30+$0x0] =	vst.idx.msk $0xffff, v8;
	v11 =	vor.u32 $0xC, v9  }
0x188: {  	v52 =	vor.u32 $0xD, v9;
	[tilespmem:v49+s30+$0x0] =	vst.idx.msk $0xffff, v8  }
0x189: {  	v53 =	vor.u32 $0xE, v9;
	[tilespmem:v50+s30+$0x0] =	vst.idx.msk $0xffff, v8  }
0x18a: {  	v54 =	vor.u32 $0xF, v9;
	[tilespmem:v51+s30+$0x0] =	vst.idx.msk $0xffff, v8  }
0x18b: {  	[tilespmem:v10+s30+$0x0] =	vst.idx.msk $0xffff, v8;
	v10 =	vor.u32 $0x10, v9  }
0x18c: {  	[tilespmem:v11+s30+$0x0] =	vst.idx.msk $0xffff, v8;
	v11 =	vor.u32 $0x11, v9  }
0x18d: {  	v55 =	vor.u32 $0x12, v9;
	[tilespmem:v52+s30+$0x0] =	vst.idx.msk $0xffff, v8  }
0x18e: {  	v56 =	vor.u32 $0x13, v9;
	[tilespmem:v53+s30+$0x0] =	vst.idx.msk $0xffff, v8  }
0x18f: {  	v57 =	vor.u32 $0x14, v9;
	[tilespmem:v54+s30+$0x0] =	vst.idx.msk $0xffff, v8  }
0x190: {  	[tilespmem:v10+s30+$0x0] =	vst.idx.msk $0xffff, v8;
	v10 =	vor.u32 $0x15, v9  }
0x191: {  	[tilespmem:v11+s30+$0x0] =	vst.idx.msk $0xffff, v8;
	v11 =	vor.u32 $0x16, v9  }
0x192: {  	v58 =	vor.u32 $0x17, v9;
	[tilespmem:v55+s30+$0x0] =	vst.idx.msk $0xffff, v8  }
0x193: {  	v59 =	vor.u32 $0x18, v9;
	[tilespmem:v56+s30+$0x0] =	vst.idx.msk $0xffff, v8  }
0x194: {  	v60 =	vor.u32 $0x19, v9;
	[tilespmem:v57+s30+$0x0] =	vst.idx.msk $0xffff, v8  }
0x195: {  	[tilespmem:v10+s30+$0x0] =	vst.idx.msk $0xffff, v8;
	v10 =	vor.u32 $0x1A, v9  }
0x196: {  	[tilespmem:v11+s30+$0x0] =	vst.idx.msk $0xffff, v8;
	v11 =	vor.u32 $0x1B, v9  }
0x197: {  	v61 =	vor.u32 $0x1C, v9;
	[tilespmem:v58+s30+$0x0] =	vst.idx.msk $0xffff, v8  }
0x198: {  	v62 =	vor.u32 $0x1D, v9;
	[tilespmem:v59+s30+$0x0] =	vst.idx.msk $0xffff, v8  }
0x199: {  	v63 =	vor.u32 $0x1E, v9;
	[tilespmem:v60+s30+$0x0] =	vst.idx.msk $0xffff, v8  }
0x19a: {  	[tilespmem:v10+s30+$0x0] =	vst.idx.msk $0xffff, v8  }
0x19b: {  	v9 =	vor.u32 $0x1F, v9;
	[tilespmem:v11+s30+$0x0] =	vst.idx.msk $0xffff, v8  }
0x19c: {  	[tilespmem:v61+s30+$0x0] =	vst.idx.msk $0xffff, v8  }
0x19d: {  	[tilespmem:v62+s30+$0x0] =	vst.idx.msk $0xffff, v8  }
0x19e: {  	s6 =	simm.s32 $0x10;
	[tilespmem:v63+s30+$0x0] =	vst.idx.msk $0xffff, v8  }
.LBB2_21:
0x19f: {  	p0 =	sne.s32 s6, $0x180  }
0x1a0: {  	[tilespmem:v9+s30+$0x0] =	vst.idx.msk $0xffff, v8;
	s15 =	sadd.s32 $0x10, s15;
	s23 =	smov.u32 s6;
	s6 =	sadd.s32 $0x10, s6  }
0x1a1: {  	v9 =	vld [tilespmem:s15+$0x0];
	_ =	sdelay $0x2  }
0x1a2: {  	v10 =	vmov s23  }
0x1a3: {  	v10 =	vshll.u32 v10, $0x5  }
0x1a4: {  	vm1 =	vlt.s32 v9, $0x0;
	v9 =	vor.u32 v7, v10  }
0x1a5: {  	v9 =	vnsel vm1, $0x37E0, v9  }
0x1a6: {  	v10 =	vor.u32 $0x1, v9  }
0x1a7: {  	v11 =	vor.u32 $0x2, v9  }
0x1a8: {  	v12 =	vor.u32 $0x3, v9  }
0x1a9: {  	v13 =	vor.u32 $0x4, v9  }
0x1aa: {  	v14 =	vor.u32 $0x5, v9;
	[tilespmem:v9+s30+$0x0] =	vst.idx.msk $0xffff, v8  }
0x1ab: {  	[tilespmem:v10+s30+$0x0] =	vst.idx.msk $0xffff, v8;
	v10 =	vor.u32 $0x6, v9  }
0x1ac: {  	[tilespmem:v11+s30+$0x0] =	vst.idx.msk $0xffff, v8;
	v11 =	vor.u32 $0x7, v9  }
0x1ad: {  	[tilespmem:v12+s30+$0x0] =	vst.idx.msk $0xffff, v8;
	v12 =	vor.u32 $0x8, v9  }
0x1ae: {  	[tilespmem:v13+s30+$0x0] =	vst.idx.msk $0xffff, v8;
	v13 =	vor.u32 $0x9, v9  }
0x1af: {  	[tilespmem:v14+s30+$0x0] =	vst.idx.msk $0xffff, v8;
	v14 =	vor.u32 $0xA, v9  }
0x1b0: {  	[tilespmem:v10+s30+$0x0] =	vst.idx.msk $0xffff, v8;
	v10 =	vor.u32 $0xB, v9  }
0x1b1: {  	[tilespmem:v11+s30+$0x0] =	vst.idx.msk $0xffff, v8;
	v11 =	vor.u32 $0xC, v9  }
0x1b2: {  	[tilespmem:v12+s30+$0x0] =	vst.idx.msk $0xffff, v8;
	v12 =	vor.u32 $0xD, v9  }
0x1b3: {  	[tilespmem:v13+s30+$0x0] =	vst.idx.msk $0xffff, v8;
	v13 =	vor.u32 $0xE, v9  }
0x1b4: {  	[tilespmem:v14+s30+$0x0] =	vst.idx.msk $0xffff, v8;
	v14 =	vor.u32 $0xF, v9  }
0x1b5: {  	[tilespmem:v10+s30+$0x0] =	vst.idx.msk $0xffff, v8;
	v10 =	vor.u32 $0x10, v9  }
0x1b6: {  	[tilespmem:v11+s30+$0x0] =	vst.idx.msk $0xffff, v8;
	v11 =	vor.u32 $0x11, v9  }
0x1b7: {  	[tilespmem:v12+s30+$0x0] =	vst.idx.msk $0xffff, v8;
	v12 =	vor.u32 $0x12, v9  }
0x1b8: {  	[tilespmem:v13+s30+$0x0] =	vst.idx.msk $0xffff, v8;
	v13 =	vor.u32 $0x13, v9  }
0x1b9: {  	[tilespmem:v14+s30+$0x0] =	vst.idx.msk $0xffff, v8;
	v14 =	vor.u32 $0x14, v9  }
0x1ba: {  	[tilespmem:v10+s30+$0x0] =	vst.idx.msk $0xffff, v8;
	v10 =	vor.u32 $0x15, v9  }
0x1bb: {  	[tilespmem:v11+s30+$0x0] =	vst.idx.msk $0xffff, v8;
	v11 =	vor.u32 $0x16, v9  }
0x1bc: {  	[tilespmem:v12+s30+$0x0] =	vst.idx.msk $0xffff, v8;
	v12 =	vor.u32 $0x17, v9  }
0x1bd: {  	[tilespmem:v13+s30+$0x0] =	vst.idx.msk $0xffff, v8;
	v13 =	vor.u32 $0x18, v9  }
0x1be: {  	[tilespmem:v14+s30+$0x0] =	vst.idx.msk $0xffff, v8;
	v14 =	vor.u32 $0x19, v9  }
0x1bf: {  	[tilespmem:v10+s30+$0x0] =	vst.idx.msk $0xffff, v8;
	v10 =	vor.u32 $0x1A, v9  }
0x1c0: {  	[tilespmem:v11+s30+$0x0] =	vst.idx.msk $0xffff, v8;
	v11 =	vor.u32 $0x1B, v9  }
0x1c1: {  	[tilespmem:v12+s30+$0x0] =	vst.idx.msk $0xffff, v8;
	v12 =	vor.u32 $0x1C, v9  }
0x1c2: {  	[tilespmem:v13+s30+$0x0] =	vst.idx.msk $0xffff, v8;
	v13 =	vor.u32 $0x1D, v9  }
0x1c3: {  	[tilespmem:v14+s30+$0x0] =	vst.idx.msk $0xffff, v8;
	v14 =	vor.u32 $0x1E, v9  }
.Ltmp13:
0x1c4: {  	v9 =	vor.u32 $0x1F, v9;
	[tilespmem:v10+s30+$0x0] =	vst.idx.msk $0xffff, v8;
	(pc) =	sbr.rel @p0 .LBB2_21-.Ltmp13, $4  }
0x1c5: {  	[tilespmem:v11+s30+$0x0] =	vst.idx.msk $0xffff, v8  }
0x1c6: {  	[tilespmem:v12+s30+$0x0] =	vst.idx.msk $0xffff, v8  }
0x1c7: {  	[tilespmem:v13+s30+$0x0] =	vst.idx.msk $0xffff, v8  }
0x1c8: {  	[tilespmem:v14+s30+$0x0] =	vst.idx.msk $0xffff, v8  }
0x1c9: {  	_ =	sdelay $0x1  }
0x1ca: {  	s6 =	sadd.s32 s9, s14;
	s11 =	sadd.s32 $0x1, s11  }
0x1cb: {  	s6 =	sshll.u32 s6, $0x2;
	p0 =	sne.s32 s11, s10  }
.Ltmp14:
0x1cc: {  	[tilespmem:v9+s30+$0x0] =	vst.idx.msk $0xffff, v8;
	s6 =	sadd.s32 s4, s6;
	(pc) =	sbr.rel @p0 .LBB2_14-.Ltmp14, $4  }
0x1cd: {  	[hbm4b:s6+s7] =	stream.linear.scatter [tilespmem:s30], [sflag:$0x3], $0x3200, $0x38;
	[tilespmem:$0x1DC20] =	vst v63  }
0x1ce: {  	_ =	swait.ge [sflag:s17], $0x3200  }
0x1cf: {  	[sflag:s17] =	ssyncset.done $0x0  }
0x1d0: {  	[sflag:s17] =	ssyncadd.s32 $0xFFFFCE00  }
0x1d1: {  	s6 =	rddreg [dreg:$0xa]  }
0x1d2: {  	s1 =	rddreg [dreg:$0x8];
	s6 =	sadd.s32 $0x1, s6  }
0x1d3: {  	p0 =	sne.s32 s6, s1  }
.Ltmp15:
0x1d4: {  	_ = 	snop;
	(pc) =	sbr.rel @p0 .LBB2_1-.Ltmp15, $1  }
0x1d5: {  	_ =	sdelay $0x3  }
0x1d6: {  	_ =	sfence.sel $0x180000  }
0x1d7: {  	[bflag:$0x0] =	sbarrier.arrive $0xFFFF  }
0x1d8: {  	_ =	strace $0x90000047  }
0x1d9: {  	[bflag:$0x2] =	sbarrier.arrive $0xFFFF  }
0x1da: {  	p0 =	sne.s32 s8, $0x0;
	s0 =	rddreg [dreg:$0x6]  }
0x1db: {  	s0 =	sadd.s32 @!p0 $0x100000, s0  }
0x1dc: {  	[sflag:s0] =	ssyncadd.tile.s32 @!p0 $0x1;
	_ =	shalt  }
.Lfunc_end2:
_tile_overlayer_lowered:
.L_overlay_start_2:
0x1dd: {  	(tag) =	ssettag $0x2  }
0x1de: {  	s0 =	rddreg [dreg:$0x0];
	s2 =	stileid.u32  }
0x1df: {  	s1 =	rddreg [dreg:$0x1];
	p0 =	sne.s32 s2, $0x0  }
0x1e0: {  	s3 =	rddreg [dreg:$0x2];
	[bflag:$0x3] =	sbarrier.arrive $0xFFFF;
	s2 =	simm.s32 @!p0 $0x1C04  }
0x1e1: {  	[timem:s3], [sflag:s2] =	dma.local @!p0 [hbm:s0], s1  }
0x1e2: {  	s0 =	simm.s32 @!p0 $0x4  }
0x1e3: {  	_ =	swait.ge @!p0 [sflag:s0], s1  }
0x1e4: {  	s1 =	ssub.s32 @!p0 $0x0, s1;
	[sflag:s0] =	ssyncset.done @!p0 $0x0  }
0x1e5: {  	[sflag:s0] =	ssyncadd.s32 @!p0 s1  }
0x1e6: {  	[bflag:$0x3] =	sbarrier.arrive $0xFFFF  }
0x1e7: {  	_ =	shalt  }

</sc_bundles>
